<compile_context>
chip_gen: v7x
topology: tpu7x:2x2x1
jax: 0.10.2.dev20260603
libtpu: 0.0.44.dev20260713+nightly
codegen_flags: <defaults>
</compile_context>

<pallas_src>
import functools

import jax
import jax.numpy as jnp
from jax import lax
from jax.experimental import pallas as pl
from jax.experimental.pallas import tpu as pltpu
from jax.experimental.pallas import tpu_sc as plsc

_FEATURE_DIM = 256
_NHID = 512
_B = 64
_K = 64


@functools.lru_cache(maxsize=None)
def _make_sc_gather(n_b, n_k, dim):
    info = plsc.get_sparse_core_info()
    num_cores, num_subcores = info.num_cores, info.num_subcores
    n_workers = num_cores * num_subcores
    n_rows = n_b * n_k
    assert n_rows % (8 * n_workers) == 0 and n_b % n_workers == 0
    rows_per_worker = n_rows // n_workers
    b_per_worker = n_b // n_workers
    mesh = plsc.VectorSubcoreMesh(core_axis_name="c", subcore_axis_name="s")

    @functools.partial(
        pl.kernel,
        mesh=mesh,
        out_type=jax.ShapeDtypeStruct((n_rows, dim), jnp.float32),
        scratch_types=[
            pltpu.VMEM((rows_per_worker,), jnp.int32),
            pltpu.VMEM((rows_per_worker, dim), jnp.float32),
            pltpu.SemaphoreType.DMA,
        ],
    )
    def gather_kernel(table_hbm, idx_hbm, out_hbm, idx_v, rows_v, sem):
        wid = lax.axis_index("s") * num_cores + lax.axis_index("c")
        base = wid * rows_per_worker
        pltpu.sync_copy(idx_hbm.at[pl.ds(base, rows_per_worker)], idx_v)
        pltpu.async_copy(table_hbm.at[idx_v], rows_v, sem).wait()
        pltpu.sync_copy(rows_v, out_hbm.at[pl.ds(base, rows_per_worker)])

    return gather_kernel


def _dense_body(xs_ref, conv_w_ref, conv_b_ref, w1_ref, b1_ref, pw_ref,
                w2_ref, b2_ref, out_ref, *, sub):
    xs = xs_ref[...]
    xs_bf = xs.astype(jnp.bfloat16)
    aggs = []
    for j in range(sub):
        x = xs_bf[j * _K:(j + 1) * _K, :]
        sim = jnp.dot(x, x.T, preferred_element_type=jnp.float32)
        sim = sim - jnp.max(sim, axis=-1, keepdims=True)
        e = jnp.exp(sim)
        adj = e / jnp.sum(e, axis=-1, keepdims=True)
        aggs.append(jnp.dot(adj.astype(jnp.bfloat16), x,
                            preferred_element_type=jnp.float32))
    agg = jnp.concatenate(aggs, axis=0)
    cat = jnp.concatenate([xs_bf, agg.astype(jnp.bfloat16)], axis=1)
    h = jnp.dot(cat, conv_w_ref[...], preferred_element_type=jnp.float32)
    h = jnp.maximum(h + conv_b_ref[...], 0.0)
    z = jnp.dot(h.astype(jnp.bfloat16), w1_ref[...],
                preferred_element_type=jnp.float32) + b1_ref[...]
    z = jnp.where(z > 0, z, pw_ref[...] * z)
    pred = jnp.sum(z * w2_ref[...], axis=1) + b2_ref[0, 0]
    out_ref[...] = pred.reshape(sub, _K)


def _dense_stage(xs_flat, conv_w, conv_b, cls_w1, cls_b1, prelu_w, cls_w2,
                 cls_b2, *, grid=1):
    n_rows = xs_flat.shape[0]
    rows_per_prog = n_rows // grid
    sub = rows_per_prog // _K
    full = lambda shape: pl.BlockSpec(shape, lambda i: (0, 0))
    return pl.pallas_call(
        functools.partial(_dense_body, sub=sub),
        grid=(grid,),
        in_specs=[
            pl.BlockSpec((rows_per_prog, _FEATURE_DIM), lambda i: (i, 0)),
            full((2 * _FEATURE_DIM, _NHID)),
            full((1, _NHID)),
            full((_NHID, _NHID)),
            full((1, _NHID)),
            full((1, _NHID)),
            full((1, _NHID)),
            full((1, 1)),
        ],
        out_specs=pl.BlockSpec((sub, _K), lambda i: (i, 0)),
        out_shape=jax.ShapeDtypeStruct((n_rows // _K, _K), jnp.float32),
    )(xs_flat, conv_w.astype(jnp.bfloat16), conv_b.reshape(1, -1),
      cls_w1.astype(jnp.bfloat16), cls_b1.reshape(1, -1),
      prelu_w.reshape(1, -1), cls_w2.reshape(1, -1), cls_b2.reshape(1, 1))


def kernel(indexes, features, labels, knn_neighbors, conv_w, conv_b, cls_w1,
           cls_b1, prelu_w, cls_w2, cls_b2, domain):
    b, k = knn_neighbors.shape
    xs_flat = _make_sc_gather(b, k, features.shape[1])(
        features, knn_neighbors.reshape(-1))
    pred = _dense_stage(xs_flat, conv_w, conv_b, cls_w1, cls_b1, prelu_w,
                        cls_w2, cls_b2)
    return pred.reshape(b, k, 1)

# --- scband reference (transcript-rebuilt; emitter-appended) ---
"""Pipeline reference for scband-gcn-v-uda-63745904607631 (READ-ONLY COPY).

The authoritative reference and input builder live on the scoring server;
editing this copy changes nothing except your own understanding.
"""

import jax, jax.numpy as jnp
import numpy as np

FEATURE_DIM = 256
NHID = 512
N_NODES = 100000
B = 64
K = 64


def setup_inputs(seed: int = 0) -> dict:
    key = jax.random.key(seed)
    ks = jax.random.split(key, 12)
    inp = {}
    inp['indexes'] = jax.random.randint(ks[0], (B,), 0, N_NODES, dtype=jnp.int32)
    inp['features'] = jax.random.normal(ks[1], (N_NODES, FEATURE_DIM), dtype=jnp.float32)
    inp['labels'] = jax.random.randint(ks[2], (N_NODES,), 0, 10, dtype=jnp.int32)
    inp['knn_neighbors'] = jax.random.randint(ks[3], (B, K), 0, N_NODES, dtype=jnp.int32)
    # GraphConv(feature_dim, nhid) with MeanAggregator-style weighted agg:
    # weight operates on concat([x, agg]) -> [2*feature_dim, nhid]
    inp['conv_w'] = jax.random.normal(ks[4], (2 * FEATURE_DIM, NHID), dtype=jnp.float32) * (1.0 / np.sqrt(2 * FEATURE_DIM))
    inp['conv_b'] = jnp.zeros((NHID,), dtype=jnp.float32)
    # classifier: Linear(nhid, nhid) -> PReLU(nhid) -> Linear(nhid, 1)
    inp['cls_w1'] = jax.random.normal(ks[5], (NHID, NHID), dtype=jnp.float32) * (1.0 / np.sqrt(NHID))
    inp['cls_b1'] = jnp.zeros((NHID,), dtype=jnp.float32)
    inp['prelu_w'] = jnp.full((NHID,), 0.25, dtype=jnp.float32)
    inp['cls_w2'] = jax.random.normal(ks[6], (NHID, 1), dtype=jnp.float32) * (1.0 / np.sqrt(NHID))
    inp['cls_b2'] = jnp.zeros((1,), dtype=jnp.float32)
    inp['domain'] = 1
    return inp


def reference(indexes, features, labels, knn_neighbors, conv_w, conv_b, cls_w1, cls_b1, prelu_w, cls_w2, cls_b2, domain=1):
    # domain == True branch of GCN_V_UDA.forward with output_feat semantics.
    # For each anchor index i: gather its K knn neighbor features, build a
    # soft adjacency adj = softmax(x @ x.T), run GraphConv (mean/weighted agg
    # + concat + linear + relu), then the MLP classifier -> per-node conf pred.
    xs = jnp.take(features, knn_neighbors, axis=0)            # [B, K, d] gather
    sim = jnp.einsum('bkd,bjd->bkj', xs, xs)                   # adj = x.mm(x.t())
    adj = jax.nn.softmax(sim, axis=-1)                         # softmax over dim=1 per row
    agg = jnp.einsum('bkj,bjd->bkd', adj, xs)                  # aggregator: adj @ x
    cat = jnp.concatenate([xs, agg], axis=-1)                  # [B, K, 2d]
    h = jax.nn.relu(jnp.einsum('bkd,df->bkf', cat, conv_w) + conv_b)  # GraphConv out [B,K,nhid]
    z = jnp.einsum('bkf,fg->bkg', h, cls_w1) + cls_b1
    z = jnp.where(z > 0, z, prelu_w * z)                       # PReLU(nhid)
    pred = jnp.einsum('bkf,fo->bko', z, cls_w2) + cls_b2       # [B, K, 1]
    return pred


if False:  # reference __main__ guard neutralized (emitter)
    out = reference(**setup_inputs())
    print(out.shape)

if __name__ == "__main__":
    import jax
    _d = setup_inputs()
    print(jax.jit(kernel)(*tuple(_d.values())))

</pallas_src>

<mosaic_0001>
#map = affine_map<(d0, d1) -> (0, 0)>
#map1 = affine_map<(d0, d1) -> (0)>
module attributes {stable_mosaic.version = 14 : i64} {
  func.func @gather_kernel(%arg0: i32, %arg1: i32, %arg2: memref<100000x256xf32, #tpu.memory_space<hbm>>, %arg3: memref<4096xi32, #tpu.memory_space<hbm>>, %arg4: memref<4096x256xf32, #tpu.memory_space<hbm>>, %arg5: memref<128xi32, #tpu.memory_space<vmem>>, %arg6: memref<128x256xf32, #tpu.memory_space<vmem>>, %arg7: memref<!tpu.dma_semaphore, #tpu.memory_space<semaphore_mem>>) attributes {dimension_semantics = [#tpu.dimension_semantics<core_parallel>, #tpu.dimension_semantics<subcore_parallel>], iteration_bounds = array<i64: 2, 16>, scalar_prefetch = 0 : i64, scratch_operands = 3 : i64, tpu.core_type = #tpu.core_type<sc_vector_subcore>, window_params = [{transform_indices = #map}, {transform_indices = #map1}, {transform_indices = #map}]} {
    %mul3A = arith.constant 2 : i32
    %mul3A_0 = arith.muli %arg1, %mul3A : i32
    %add3A = arith.addi %mul3A_0, %arg0 : i32
    %mul3A_1 = arith.constant 128 : i32
    %mul3A_2 = arith.muli %add3A, %mul3A_1 : i32
    "tpu.region"() ({
      %run_scoped3A = tpu.sem_alloc : memref<!tpu.dma_semaphore, #tpu.memory_space<semaphore_mem>>
      %dma_start3A_7 = tpu.memref_slice %arg3[%mul3A_2] : memref<4096xi32, #tpu.memory_space<hbm>> -> memref<128xi32, #tpu.memory_space<hbm>>
      %dma_start3A_8 = tpu.memref_slice %arg3[%mul3A_2] : memref<4096xi32, #tpu.memory_space<hbm>> -> memref<128xi32, #tpu.memory_space<hbm>>
      tpu.enqueue_dma source(%dma_start3A_8 : memref<128xi32, #tpu.memory_space<hbm>>) target(%arg5 : memref<128xi32, #tpu.memory_space<vmem>>) target_semaphore(%run_scoped3A : memref<!tpu.dma_semaphore, #tpu.memory_space<semaphore_mem>>)
      %dma_wait3A_9 = tpu.memref_slice %arg3[%mul3A_2] : memref<4096xi32, #tpu.memory_space<hbm>> -> memref<128xi32, #tpu.memory_space<hbm>>
      %dma_wait3A_10 = tpu.memref_slice %arg3[%mul3A_2] : memref<4096xi32, #tpu.memory_space<hbm>> -> memref<128xi32, #tpu.memory_space<hbm>>
      tpu.wait_dma2 semaphore(%run_scoped3A : memref<!tpu.dma_semaphore, #tpu.memory_space<semaphore_mem>>) src(%dma_wait3A_10 : memref<128xi32, #tpu.memory_space<hbm>>) dst(%arg5 : memref<128xi32, #tpu.memory_space<vmem>>)
      tpu.yield
    }) : () -> ()
    %dma_start3A = arith.constant 0 : i32
    %dma_start3A_3 = arith.constant 0 : i32
    %dma_start3A_4 = tpu.memref_slice %arg2[%dma_start3A, %dma_start3A_3] : memref<100000x256xf32, #tpu.memory_space<hbm>> -> memref<100000x256xf32, #tpu.memory_space<hbm>>
    tpu.enqueue_indirect_dma source(%dma_start3A_4 : memref<100000x256xf32, #tpu.memory_space<hbm>>) target(%arg6 : memref<128x256xf32, #tpu.memory_space<vmem>>) offsets(%arg5 : memref<128xi32, #tpu.memory_space<vmem>>) semaphore(%arg7 : memref<!tpu.dma_semaphore, #tpu.memory_space<semaphore_mem>>)
    %dma_wait3A = arith.constant 0 : i32
    %dma_wait3A_5 = arith.constant 0 : i32
    %dma_wait3A_6 = tpu.memref_slice %arg2[%dma_wait3A, %dma_wait3A_5] : memref<100000x256xf32, #tpu.memory_space<hbm>> -> memref<100000x256xf32, #tpu.memory_space<hbm>>
    tpu.wait_indirect_dma semaphore(%arg7 : memref<!tpu.dma_semaphore, #tpu.memory_space<semaphore_mem>>) src(%dma_wait3A_6 : memref<100000x256xf32, #tpu.memory_space<hbm>>) dst(%arg6 : memref<128x256xf32, #tpu.memory_space<vmem>>)
    "tpu.region"() ({
      %run_scoped3A = tpu.sem_alloc : memref<!tpu.dma_semaphore, #tpu.memory_space<semaphore_mem>>
      %dma_start3A_7 = arith.constant 0 : i32
      %dma_start3A_8 = tpu.memref_slice %arg4[%mul3A_2, %dma_start3A_7] : memref<4096x256xf32, #tpu.memory_space<hbm>> -> memref<128x256xf32, #tpu.memory_space<hbm>>
      %dma_start3A_9 = arith.constant 0 : i32
      %dma_start3A_10 = tpu.memref_slice %arg4[%mul3A_2, %dma_start3A_9] : memref<4096x256xf32, #tpu.memory_space<hbm>> -> memref<128x256xf32, #tpu.memory_space<hbm>>
      tpu.enqueue_dma source(%arg6 : memref<128x256xf32, #tpu.memory_space<vmem>>) target(%dma_start3A_10 : memref<128x256xf32, #tpu.memory_space<hbm>>) target_semaphore(%run_scoped3A : memref<!tpu.dma_semaphore, #tpu.memory_space<semaphore_mem>>)
      %dma_wait3A_11 = arith.constant 0 : i32
      %dma_wait3A_12 = tpu.memref_slice %arg4[%mul3A_2, %dma_wait3A_11] : memref<4096x256xf32, #tpu.memory_space<hbm>> -> memref<128x256xf32, #tpu.memory_space<hbm>>
      %dma_wait3A_13 = arith.constant 0 : i32
      %dma_wait3A_14 = tpu.memref_slice %arg4[%mul3A_2, %dma_wait3A_13] : memref<4096x256xf32, #tpu.memory_space<hbm>> -> memref<128x256xf32, #tpu.memory_space<hbm>>
      tpu.wait_dma2 semaphore(%run_scoped3A : memref<!tpu.dma_semaphore, #tpu.memory_space<semaphore_mem>>) src(%arg6 : memref<128x256xf32, #tpu.memory_space<vmem>>) dst(%dma_wait3A_14 : memref<128x256xf32, #tpu.memory_space<hbm>>)
      tpu.yield
    }) : () -> ()
    return
  }
}

module attributes {stable_mosaic.version = 14 : i64} {
  func.func @_dense_body(%arg0: i32, %arg1: memref<4096x256xf32, #tpu.memory_space<vmem>>, %arg2: memref<512x512xbf16, #tpu.memory_space<vmem>>, %arg3: memref<1x512xf32, #tpu.memory_space<vmem>>, %arg4: memref<512x512xbf16, #tpu.memory_space<vmem>>, %arg5: memref<1x512xf32, #tpu.memory_space<vmem>>, %arg6: memref<1x512xf32, #tpu.memory_space<vmem>>, %arg7: memref<1x512xf32, #tpu.memory_space<vmem>>, %arg8: memref<1x1xf32, #tpu.memory_space<vmem>>, %arg9: memref<64x64xf32, #tpu.memory_space<vmem>>) attributes {dimension_semantics = [#tpu.dimension_semantics<arbitrary>], iteration_bounds = array<i64: 1>, scalar_prefetch = 0 : i64, scratch_operands = 0 : i64, tpu.core_type = #tpu.core_type<tc>, window_params = [{transform_indices = @transform_0, window_bounds = array<i64: 4096, 256>}, {pipeline_mode = #tpu.pipeline_mode<synchronous>, transform_indices = @transform_1, window_bounds = array<i64: 512, 512>}, {pipeline_mode = #tpu.pipeline_mode<synchronous>, transform_indices = @transform_2, window_bounds = array<i64: 1, 512>}, {pipeline_mode = #tpu.pipeline_mode<synchronous>, transform_indices = @transform_3, window_bounds = array<i64: 512, 512>}, {pipeline_mode = #tpu.pipeline_mode<synchronous>, transform_indices = @transform_4, window_bounds = array<i64: 1, 512>}, {pipeline_mode = #tpu.pipeline_mode<synchronous>, transform_indices = @transform_5, window_bounds = array<i64: 1, 512>}, {pipeline_mode = #tpu.pipeline_mode<synchronous>, transform_indices = @transform_6, window_bounds = array<i64: 1, 512>}, {pipeline_mode = #tpu.pipeline_mode<synchronous>, transform_indices = @transform_7, window_bounds = array<i64: 1, 1>}, {transform_indices = @transform_8, window_bounds = array<i64: 64, 64>}]} {
    %get3A = arith.constant 0 : index
    %get3A_0 = arith.constant 0 : index
    %get3A_1 = vector.load %arg1[%get3A, %get3A_0] : memref<4096x256xf32, #tpu.memory_space<vmem>>, vector<4096x256xf32>
    %convert_element_type3A = arith.truncf %get3A_1 : vector<4096x256xf32> to vector<4096x256xbf16>
    %slice3A = vector.extract_strided_slice %convert_element_type3A {offsets = [0, 0], sizes = [64, 256], strides = [1, 1]} : vector<4096x256xbf16> to vector<64x256xbf16>
    %transpose3A = tpu.transpose %slice3A, [1, 0] : vector<64x256xbf16> -> vector<256x64xbf16>
    %dot_general3A = arith.constant dense<0.000000e+00> : vector<64x64xf32>
    %dot_general3A_2 = tpu.matmul %slice3A, %transpose3A, %dot_general3A {dimension_numbers = #tpu.dot_dimension_numbers<[1], [0], [0], [1], [0, 0, 1, 1], [], []>, transpose_lhs_hint = false} : vector<64x256xbf16>, vector<256x64xbf16>, vector<64x64xf32> -> vector<64x64xf32>
    %reduce_max3A = arith.constant dense<0xFF800000> : vector<64xf32>
    %reduce_max3A_3 = vector.multi_reduction <maximumf>, %dot_general3A_2, %reduce_max3A [1] : vector<64x64xf32> to vector<64xf32>
    %broadcast_in_dim3A = vector.shape_cast %reduce_max3A_3 : vector<64xf32> to vector<64x1xf32>
    %sub3A = vector.broadcast %broadcast_in_dim3A : vector<64x1xf32> to vector<64x64xf32>
    %sub3A_4 = arith.subf %dot_general3A_2, %sub3A : vector<64x64xf32>
    %exp3A = math.exp %sub3A_4 : vector<64x64xf32>
    %reduce_sum3A = arith.constant dense<0.000000e+00> : vector<64xf32>
    %reduce_sum3A_5 = vector.multi_reduction <add>, %exp3A, %reduce_sum3A [1] : vector<64x64xf32> to vector<64xf32>
    %broadcast_in_dim3A_6 = vector.shape_cast %reduce_sum3A_5 : vector<64xf32> to vector<64x1xf32>
    %div3A = vector.broadcast %broadcast_in_dim3A_6 : vector<64x1xf32> to vector<64x64xf32>
    %div3A_7 = arith.divf %exp3A, %div3A : vector<64x64xf32>
    %convert_element_type3A_8 = arith.truncf %div3A_7 : vector<64x64xf32> to vector<64x64xbf16>
    %dot_general3A_9 = arith.constant dense<0.000000e+00> : vector<64x256xf32>
    %dot_general3A_10 = tpu.matmul %convert_element_type3A_8, %slice3A, %dot_general3A_9 {dimension_numbers = #tpu.dot_dimension_numbers<[1], [0], [0], [1], [0, 0, 1, 1], [], []>, transpose_lhs_hint = false} : vector<64x64xbf16>, vector<64x256xbf16>, vector<64x256xf32> -> vector<64x256xf32>
    %slice3A_11 = vector.extract_strided_slice %convert_element_type3A {offsets = [64, 0], sizes = [64, 256], strides = [1, 1]} : vector<4096x256xbf16> to vector<64x256xbf16>
    %transpose3A_12 = tpu.transpose %slice3A_11, [1, 0] : vector<64x256xbf16> -> vector<256x64xbf16>
    %dot_general3A_13 = arith.constant dense<0.000000e+00> : vector<64x64xf32>
    %dot_general3A_14 = tpu.matmul %slice3A_11, %transpose3A_12, %dot_general3A_13 {dimension_numbers = #tpu.dot_dimension_numbers<[1], [0], [0], [1], [0, 0, 1, 1], [], []>, transpose_lhs_hint = false} : vector<64x256xbf16>, vector<256x64xbf16>, vector<64x64xf32> -> vector<64x64xf32>
    %reduce_max3A_15 = arith.constant dense<0xFF800000> : vector<64xf32>
    %reduce_max3A_16 = vector.multi_reduction <maximumf>, %dot_general3A_14, %reduce_max3A_15 [1] : vector<64x64xf32> to vector<64xf32>
    %broadcast_in_dim3A_17 = vector.shape_cast %reduce_max3A_16 : vector<64xf32> to vector<64x1xf32>
    %sub3A_18 = vector.broadcast %broadcast_in_dim3A_17 : vector<64x1xf32> to vector<64x64xf32>
    %sub3A_19 = arith.subf %dot_general3A_14, %sub3A_18 : vector<64x64xf32>
    %exp3A_20 = math.exp %sub3A_19 : vector<64x64xf32>
    %reduce_sum3A_21 = arith.constant dense<0.000000e+00> : vector<64xf32>
    %reduce_sum3A_22 = vector.multi_reduction <add>, %exp3A_20, %reduce_sum3A_21 [1] : vector<64x64xf32> to vector<64xf32>
    %broadcast_in_dim3A_23 = vector.shape_cast %reduce_sum3A_22 : vector<64xf32> to vector<64x1xf32>
    %div3A_24 = vector.broadcast %broadcast_in_dim3A_23 : vector<64x1xf32> to vector<64x64xf32>
    %div3A_25 = arith.divf %exp3A_20, %div3A_24 : vector<64x64xf32>
    %convert_element_type3A_26 = arith.truncf %div3A_25 : vector<64x64xf32> to vector<64x64xbf16>
    %dot_general3A_27 = arith.constant dense<0.000000e+00> : vector<64x256xf32>
    %dot_general3A_28 = tpu.matmul %convert_element_type3A_26, %slice3A_11, %dot_general3A_27 {dimension_numbers = #tpu.dot_dimension_numbers<[1], [0], [0], [1], [0, 0, 1, 1], [], []>, transpose_lhs_hint = false} : vector<64x64xbf16>, vector<64x256xbf16>, vector<64x256xf32> -> vector<64x256xf32>
    %slice3A_29 = vector.extract_strided_slice %convert_element_type3A {offsets = [128, 0], sizes = [64, 256], strides = [1, 1]} : vector<4096x256xbf16> to vector<64x256xbf16>
    %transpose3A_30 = tpu.transpose %slice3A_29, [1, 0] : vector<64x256xbf16> -> vector<256x64xbf16>
    %dot_general3A_31 = arith.constant dense<0.000000e+00> : vector<64x64xf32>
    %dot_general3A_32 = tpu.matmul %slice3A_29, %transpose3A_30, %dot_general3A_31 {dimension_numbers = #tpu.dot_dimension_numbers<[1], [0], [0], [1], [0, 0, 1, 1], [], []>, transpose_lhs_hint = false} : vector<64x256xbf16>, vector<256x64xbf16>, vector<64x64xf32> -> vector<64x64xf32>
    %reduce_max3A_33 = arith.constant dense<0xFF800000> : vector<64xf32>
    %reduce_max3A_34 = vector.multi_reduction <maximumf>, %dot_general3A_32, %reduce_max3A_33 [1] : vector<64x64xf32> to vector<64xf32>
    %broadcast_in_dim3A_35 = vector.shape_cast %reduce_max3A_34 : vector<64xf32> to vector<64x1xf32>
    %sub3A_36 = vector.broadcast %broadcast_in_dim3A_35 : vector<64x1xf32> to vector<64x64xf32>
    %sub3A_37 = arith.subf %dot_general3A_32, %sub3A_36 : vector<64x64xf32>
    %exp3A_38 = math.exp %sub3A_37 : vector<64x64xf32>
    %reduce_sum3A_39 = arith.constant dense<0.000000e+00> : vector<64xf32>
    %reduce_sum3A_40 = vector.multi_reduction <add>, %exp3A_38, %reduce_sum3A_39 [1] : vector<64x64xf32> to vector<64xf32>
    %broadcast_in_dim3A_41 = vector.shape_cast %reduce_sum3A_40 : vector<64xf32> to vector<64x1xf32>
    %div3A_42 = vector.broadcast %broadcast_in_dim3A_41 : vector<64x1xf32> to vector<64x64xf32>
    %div3A_43 = arith.divf %exp3A_38, %div3A_42 : vector<64x64xf32>
    %convert_element_type3A_44 = arith.truncf %div3A_43 : vector<64x64xf32> to vector<64x64xbf16>
    %dot_general3A_45 = arith.constant dense<0.000000e+00> : vector<64x256xf32>
    %dot_general3A_46 = tpu.matmul %convert_element_type3A_44, %slice3A_29, %dot_general3A_45 {dimension_numbers = #tpu.dot_dimension_numbers<[1], [0], [0], [1], [0, 0, 1, 1], [], []>, transpose_lhs_hint = false} : vector<64x64xbf16>, vector<64x256xbf16>, vector<64x256xf32> -> vector<64x256xf32>
    %slice3A_47 = vector.extract_strided_slice %convert_element_type3A {offsets = [192, 0], sizes = [64, 256], strides = [1, 1]} : vector<4096x256xbf16> to vector<64x256xbf16>
    %transpose3A_48 = tpu.transpose %slice3A_47, [1, 0] : vector<64x256xbf16> -> vector<256x64xbf16>
    %dot_general3A_49 = arith.constant dense<0.000000e+00> : vector<64x64xf32>
    %dot_general3A_50 = tpu.matmul %slice3A_47, %transpose3A_48, %dot_general3A_49 {dimension_numbers = #tpu.dot_dimension_numbers<[1], [0], [0], [1], [0, 0, 1, 1], [], []>, transpose_lhs_hint = false} : vector<64x256xbf16>, vector<256x64xbf16>, vector<64x64xf32> -> vector<64x64xf32>
    %reduce_max3A_51 = arith.constant dense<0xFF800000> : vector<64xf32>
    %reduce_max3A_52 = vector.multi_reduction <maximumf>, %dot_general3A_50, %reduce_max3A_51 [1] : vector<64x64xf32> to vector<64xf32>
    %broadcast_in_dim3A_53 = vector.shape_cast %reduce_max3A_52 : vector<64xf32> to vector<64x1xf32>
    %sub3A_54 = vector.broadcast %broadcast_in_dim3A_53 : vector<64x1xf32> to vector<64x64xf32>
    %sub3A_55 = arith.subf %dot_general3A_50, %sub3A_54 : vector<64x64xf32>
    %exp3A_56 = math.exp %sub3A_55 : vector<64x64xf32>
    %reduce_sum3A_57 = arith.constant dense<0.000000e+00> : vector<64xf32>
    %reduce_sum3A_58 = vector.multi_reduction <add>, %exp3A_56, %reduce_sum3A_57 [1] : vector<64x64xf32> to vector<64xf32>
    %broadcast_in_dim3A_59 = vector.shape_cast %reduce_sum3A_58 : vector<64xf32> to vector<64x1xf32>
    %div3A_60 = vector.broadcast %broadcast_in_dim3A_59 : vector<64x1xf32> to vector<64x64xf32>
    %div3A_61 = arith.divf %exp3A_56, %div3A_60 : vector<64x64xf32>
    %convert_element_type3A_62 = arith.truncf %div3A_61 : vector<64x64xf32> to vector<64x64xbf16>
    %dot_general3A_63 = arith.constant dense<0.000000e+00> : vector<64x256xf32>
    %dot_general3A_64 = tpu.matmul %convert_element_type3A_62, %slice3A_47, %dot_general3A_63 {dimension_numbers = #tpu.dot_dimension_numbers<[1], [0], [0], [1], [0, 0, 1, 1], [], []>, transpose_lhs_hint = false} : vector<64x64xbf16>, vector<64x256xbf16>, vector<64x256xf32> -> vector<64x256xf32>
    %slice3A_65 = vector.extract_strided_slice %convert_element_type3A {offsets = [256, 0], sizes = [64, 256], strides = [1, 1]} : vector<4096x256xbf16> to vector<64x256xbf16>
    %transpose3A_66 = tpu.transpose %slice3A_65, [1, 0] : vector<64x256xbf16> -> vector<256x64xbf16>
    %dot_general3A_67 = arith.constant dense<0.000000e+00> : vector<64x64xf32>
    %dot_general3A_68 = tpu.matmul %slice3A_65, %transpose3A_66, %dot_general3A_67 {dimension_numbers = #tpu.dot_dimension_numbers<[1], [0], [0], [1], [0, 0, 1, 1], [], []>, transpose_lhs_hint = false} : vector<64x256xbf16>, vector<256x64xbf16>, vector<64x64xf32> -> vector<64x64xf32>
    %reduce_max3A_69 = arith.constant dense<0xFF800000> : vector<64xf32>
    %reduce_max3A_70 = vector.multi_reduction <maximumf>, %dot_general3A_68, %reduce_max3A_69 [1] : vector<64x64xf32> to vector<64xf32>
    %broadcast_in_dim3A_71 = vector.shape_cast %reduce_max3A_70 : vector<64xf32> to vector<64x1xf32>
    %sub3A_72 = vector.broadcast %broadcast_in_dim3A_71 : vector<64x1xf32> to vector<64x64xf32>
    %sub3A_73 = arith.subf %dot_general3A_68, %sub3A_72 : vector<64x64xf32>
    %exp3A_74 = math.exp %sub3A_73 : vector<64x64xf32>
    %reduce_sum3A_75 = arith.constant dense<0.000000e+00> : vector<64xf32>
    %reduce_sum3A_76 = vector.multi_reduction <add>, %exp3A_74, %reduce_sum3A_75 [1] : vector<64x64xf32> to vector<64xf32>
    %broadcast_in_dim3A_77 = vector.shape_cast %reduce_sum3A_76 : vector<64xf32> to vector<64x1xf32>
    %div3A_78 = vector.broadcast %broadcast_in_dim3A_77 : vector<64x1xf32> to vector<64x64xf32>
    %div3A_79 = arith.divf %exp3A_74, %div3A_78 : vector<64x64xf32>
    %convert_element_type3A_80 = arith.truncf %div3A_79 : vector<64x64xf32> to vector<64x64xbf16>
    %dot_general3A_81 = arith.constant dense<0.000000e+00> : vector<64x256xf32>
    %dot_general3A_82 = tpu.matmul %convert_element_type3A_80, %slice3A_65, %dot_general3A_81 {dimension_numbers = #tpu.dot_dimension_numbers<[1], [0], [0], [1], [0, 0, 1, 1], [], []>, transpose_lhs_hint = false} : vector<64x64xbf16>, vector<64x256xbf16>, vector<64x256xf32> -> vector<64x256xf32>
    %slice3A_83 = vector.extract_strided_slice %convert_element_type3A {offsets = [320, 0], sizes = [64, 256], strides = [1, 1]} : vector<4096x256xbf16> to vector<64x256xbf16>
    %transpose3A_84 = tpu.transpose %slice3A_83, [1, 0] : vector<64x256xbf16> -> vector<256x64xbf16>
    %dot_general3A_85 = arith.constant dense<0.000000e+00> : vector<64x64xf32>
    %dot_general3A_86 = tpu.matmul %slice3A_83, %transpose3A_84, %dot_general3A_85 {dimension_numbers = #tpu.dot_dimension_numbers<[1], [0], [0], [1], [0, 0, 1, 1], [], []>, transpose_lhs_hint = false} : vector<64x256xbf16>, vector<256x64xbf16>, vector<64x64xf32> -> vector<64x64xf32>
    %reduce_max3A_87 = arith.constant dense<0xFF800000> : vector<64xf32>
    %reduce_max3A_88 = vector.multi_reduction <maximumf>, %dot_general3A_86, %reduce_max3A_87 [1] : vector<64x64xf32> to vector<64xf32>
    %broadcast_in_dim3A_89 = vector.shape_cast %reduce_max3A_88 : vector<64xf32> to vector<64x1xf32>
    %sub3A_90 = vector.broadcast %broadcast_in_dim3A_89 : vector<64x1xf32> to vector<64x64xf32>
    %sub3A_91 = arith.subf %dot_general3A_86, %sub3A_90 : vector<64x64xf32>
    %exp3A_92 = math.exp %sub3A_91 : vector<64x64xf32>
    %reduce_sum3A_93 = arith.constant dense<0.000000e+00> : vector<64xf32>
    %reduce_sum3A_94 = vector.multi_reduction <add>, %exp3A_92, %reduce_sum3A_93 [1] : vector<64x64xf32> to vector<64xf32>
    %broadcast_in_dim3A_95 = vector.shape_cast %reduce_sum3A_94 : vector<64xf32> to vector<64x1xf32>
    %div3A_96 = vector.broadcast %broadcast_in_dim3A_95 : vector<64x1xf32> to vector<64x64xf32>
    %div3A_97 = arith.divf %exp3A_92, %div3A_96 : vector<64x64xf32>
    %convert_element_type3A_98 = arith.truncf %div3A_97 : vector<64x64xf32> to vector<64x64xbf16>
    %dot_general3A_99 = arith.constant dense<0.000000e+00> : vector<64x256xf32>
    %dot_general3A_100 = tpu.matmul %convert_element_type3A_98, %slice3A_83, %dot_general3A_99 {dimension_numbers = #tpu.dot_dimension_numbers<[1], [0], [0], [1], [0, 0, 1, 1], [], []>, transpose_lhs_hint = false} : vector<64x64xbf16>, vector<64x256xbf16>, vector<64x256xf32> -> vector<64x256xf32>
    %slice3A_101 = vector.extract_strided_slice %convert_element_type3A {offsets = [384, 0], sizes = [64, 256], strides = [1, 1]} : vector<4096x256xbf16> to vector<64x256xbf16>
    %transpose3A_102 = tpu.transpose %slice3A_101, [1, 0] : vector<64x256xbf16> -> vector<256x64xbf16>
    %dot_general3A_103 = arith.constant dense<0.000000e+00> : vector<64x64xf32>
    %dot_general3A_104 = tpu.matmul %slice3A_101, %transpose3A_102, %dot_general3A_103 {dimension_numbers = #tpu.dot_dimension_numbers<[1], [0], [0], [1], [0, 0, 1, 1], [], []>, transpose_lhs_hint = false} : vector<64x256xbf16>, vector<256x64xbf16>, vector<64x64xf32> -> vector<64x64xf32>
    %reduce_max3A_105 = arith.constant dense<0xFF800000> : vector<64xf32>
    %reduce_max3A_106 = vector.multi_reduction <maximumf>, %dot_general3A_104, %reduce_max3A_105 [1] : vector<64x64xf32> to vector<64xf32>
    %broadcast_in_dim3A_107 = vector.shape_cast %reduce_max3A_106 : vector<64xf32> to vector<64x1xf32>
    %sub3A_108 = vector.broadcast %broadcast_in_dim3A_107 : vector<64x1xf32> to vector<64x64xf32>
    %sub3A_109 = arith.subf %dot_general3A_104, %sub3A_108 : vector<64x64xf32>
    %exp3A_110 = math.exp %sub3A_109 : vector<64x64xf32>
    %reduce_sum3A_111 = arith.constant dense<0.000000e+00> : vector<64xf32>
    %reduce_sum3A_112 = vector.multi_reduction <add>, %exp3A_110, %reduce_sum3A_111 [1] : vector<64x64xf32> to vector<64xf32>
    %broadcast_in_dim3A_113 = vector.shape_cast %reduce_sum3A_112 : vector<64xf32> to vector<64x1xf32>
    %div3A_114 = vector.broadcast %broadcast_in_dim3A_113 : vector<64x1xf32> to vector<64x64xf32>
    %div3A_115 = arith.divf %exp3A_110, %div3A_114 : vector<64x64xf32>
    %convert_element_type3A_116 = arith.truncf %div3A_115 : vector<64x64xf32> to vector<64x64xbf16>
    %dot_general3A_117 = arith.constant dense<0.000000e+00> : vector<64x256xf32>
    %dot_general3A_118 = tpu.matmul %convert_element_type3A_116, %slice3A_101, %dot_general3A_117 {dimension_numbers = #tpu.dot_dimension_numbers<[1], [0], [0], [1], [0, 0, 1, 1], [], []>, transpose_lhs_hint = false} : vector<64x64xbf16>, vector<64x256xbf16>, vector<64x256xf32> -> vector<64x256xf32>
    %slice3A_119 = vector.extract_strided_slice %convert_element_type3A {offsets = [448, 0], sizes = [64, 256], strides = [1, 1]} : vector<4096x256xbf16> to vector<64x256xbf16>
    %transpose3A_120 = tpu.transpose %slice3A_119, [1, 0] : vector<64x256xbf16> -> vector<256x64xbf16>
    %dot_general3A_121 = arith.constant dense<0.000000e+00> : vector<64x64xf32>
    %dot_general3A_122 = tpu.matmul %slice3A_119, %transpose3A_120, %dot_general3A_121 {dimension_numbers = #tpu.dot_dimension_numbers<[1], [0], [0], [1], [0, 0, 1, 1], [], []>, transpose_lhs_hint = false} : vector<64x256xbf16>, vector<256x64xbf16>, vector<64x64xf32> -> vector<64x64xf32>
    %reduce_max3A_123 = arith.constant dense<0xFF800000> : vector<64xf32>
    %reduce_max3A_124 = vector.multi_reduction <maximumf>, %dot_general3A_122, %reduce_max3A_123 [1] : vector<64x64xf32> to vector<64xf32>
    %broadcast_in_dim3A_125 = vector.shape_cast %reduce_max3A_124 : vector<64xf32> to vector<64x1xf32>
    %sub3A_126 = vector.broadcast %broadcast_in_dim3A_125 : vector<64x1xf32> to vector<64x64xf32>
    %sub3A_127 = arith.subf %dot_general3A_122, %sub3A_126 : vector<64x64xf32>
    %exp3A_128 = math.exp %sub3A_127 : vector<64x64xf32>
    %reduce_sum3A_129 = arith.constant dense<0.000000e+00> : vector<64xf32>
    %reduce_sum3A_130 = vector.multi_reduction <add>, %exp3A_128, %reduce_sum3A_129 [1] : vector<64x64xf32> to vector<64xf32>
    %broadcast_in_dim3A_131 = vector.shape_cast %reduce_sum3A_130 : vector<64xf32> to vector<64x1xf32>
    %div3A_132 = vector.broadcast %broadcast_in_dim3A_131 : vector<64x1xf32> to vector<64x64xf32>
    %div3A_133 = arith.divf %exp3A_128, %div3A_132 : vector<64x64xf32>
    %convert_element_type3A_134 = arith.truncf %div3A_133 : vector<64x64xf32> to vector<64x64xbf16>
    %dot_general3A_135 = arith.constant dense<0.000000e+00> : vector<64x256xf32>
    %dot_general3A_136 = tpu.matmul %convert_element_type3A_134, %slice3A_119, %dot_general3A_135 {dimension_numbers = #tpu.dot_dimension_numbers<[1], [0], [0], [1], [0, 0, 1, 1], [], []>, transpose_lhs_hint = false} : vector<64x64xbf16>, vector<64x256xbf16>, vector<64x256xf32> -> vector<64x256xf32>
    %slice3A_137 = vector.extract_strided_slice %convert_element_type3A {offsets = [512, 0], sizes = [64, 256], strides = [1, 1]} : vector<4096x256xbf16> to vector<64x256xbf16>
    %transpose3A_138 = tpu.transpose %slice3A_137, [1, 0] : vector<64x256xbf16> -> vector<256x64xbf16>
    %dot_general3A_139 = arith.constant dense<0.000000e+00> : vector<64x64xf32>
    %dot_general3A_140 = tpu.matmul %slice3A_137, %transpose3A_138, %dot_general3A_139 {dimension_numbers = #tpu.dot_dimension_numbers<[1], [0], [0], [1], [0, 0, 1, 1], [], []>, transpose_lhs_hint = false} : vector<64x256xbf16>, vector<256x64xbf16>, vector<64x64xf32> -> vector<64x64xf32>
    %reduce_max3A_141 = arith.constant dense<0xFF800000> : vector<64xf32>
    %reduce_max3A_142 = vector.multi_reduction <maximumf>, %dot_general3A_140, %reduce_max3A_141 [1] : vector<64x64xf32> to vector<64xf32>
    %broadcast_in_dim3A_143 = vector.shape_cast %reduce_max3A_142 : vector<64xf32> to vector<64x1xf32>
    %sub3A_144 = vector.broadcast %broadcast_in_dim3A_143 : vector<64x1xf32> to vector<64x64xf32>
    %sub3A_145 = arith.subf %dot_general3A_140, %sub3A_144 : vector<64x64xf32>
    %exp3A_146 = math.exp %sub3A_145 : vector<64x64xf32>
    %reduce_sum3A_147 = arith.constant dense<0.000000e+00> : vector<64xf32>
    %reduce_sum3A_148 = vector.multi_reduction <add>, %exp3A_146, %reduce_sum3A_147 [1] : vector<64x64xf32> to vector<64xf32>
    %broadcast_in_dim3A_149 = vector.shape_cast %reduce_sum3A_148 : vector<64xf32> to vector<64x1xf32>
    %div3A_150 = vector.broadcast %broadcast_in_dim3A_149 : vector<64x1xf32> to vector<64x64xf32>
    %div3A_151 = arith.divf %exp3A_146, %div3A_150 : vector<64x64xf32>
    %convert_element_type3A_152 = arith.truncf %div3A_151 : vector<64x64xf32> to vector<64x64xbf16>
    %dot_general3A_153 = arith.constant dense<0.000000e+00> : vector<64x256xf32>
    %dot_general3A_154 = tpu.matmul %convert_element_type3A_152, %slice3A_137, %dot_general3A_153 {dimension_numbers = #tpu.dot_dimension_numbers<[1], [0], [0], [1], [0, 0, 1, 1], [], []>, transpose_lhs_hint = false} : vector<64x64xbf16>, vector<64x256xbf16>, vector<64x256xf32> -> vector<64x256xf32>
    %slice3A_155 = vector.extract_strided_slice %convert_element_type3A {offsets = [576, 0], sizes = [64, 256], strides = [1, 1]} : vector<4096x256xbf16> to vector<64x256xbf16>
    %transpose3A_156 = tpu.transpose %slice3A_155, [1, 0] : vector<64x256xbf16> -> vector<256x64xbf16>
    %dot_general3A_157 = arith.constant dense<0.000000e+00> : vector<64x64xf32>
    %dot_general3A_158 = tpu.matmul %slice3A_155, %transpose3A_156, %dot_general3A_157 {dimension_numbers = #tpu.dot_dimension_numbers<[1], [0], [0], [1], [0, 0, 1, 1], [], []>, transpose_lhs_hint = false} : vector<64x256xbf16>, vector<256x64xbf16>, vector<64x64xf32> -> vector<64x64xf32>
    %reduce_max3A_159 = arith.constant dense<0xFF800000> : vector<64xf32>
    %reduce_max3A_160 = vector.multi_reduction <maximumf>, %dot_general3A_158, %reduce_max3A_159 [1] : vector<64x64xf32> to vector<64xf32>
    %broadcast_in_dim3A_161 = vector.shape_cast %reduce_max3A_160 : vector<64xf32> to vector<64x1xf32>
    %sub3A_162 = vector.broadcast %broadcast_in_dim3A_161 : vector<64x1xf32> to vector<64x64xf32>
    %sub3A_163 = arith.subf %dot_general3A_158, %sub3A_162 : vector<64x64xf32>
    %exp3A_164 = math.exp %sub3A_163 : vector<64x64xf32>
    %reduce_sum3A_165 = arith.constant dense<0.000000e+00> : vector<64xf32>
    %reduce_sum3A_166 = vector.multi_reduction <add>, %exp3A_164, %reduce_sum3A_165 [1] : vector<64x64xf32> to vector<64xf32>
    %broadcast_in_dim3A_167 = vector.shape_cast %reduce_sum3A_166 : vector<64xf32> to vector<64x1xf32>
    %div3A_168 = vector.broadcast %broadcast_in_dim3A_167 : vector<64x1xf32> to vector<64x64xf32>
    %div3A_169 = arith.divf %exp3A_164, %div3A_168 : vector<64x64xf32>
    %convert_element_type3A_170 = arith.truncf %div3A_169 : vector<64x64xf32> to vector<64x64xbf16>
    %dot_general3A_171 = arith.constant dense<0.000000e+00> : vector<64x256xf32>
    %dot_general3A_172 = tpu.matmul %convert_element_type3A_170, %slice3A_155, %dot_general3A_171 {dimension_numbers = #tpu.dot_dimension_numbers<[1], [0], [0], [1], [0, 0, 1, 1], [], []>, transpose_lhs_hint = false} : vector<64x64xbf16>, vector<64x256xbf16>, vector<64x256xf32> -> vector<64x256xf32>
    %slice3A_173 = vector.extract_strided_slice %convert_element_type3A {offsets = [640, 0], sizes = [64, 256], strides = [1, 1]} : vector<4096x256xbf16> to vector<64x256xbf16>
    %transpose3A_174 = tpu.transpose %slice3A_173, [1, 0] : vector<64x256xbf16> -> vector<256x64xbf16>
    %dot_general3A_175 = arith.constant dense<0.000000e+00> : vector<64x64xf32>
    %dot_general3A_176 = tpu.matmul %slice3A_173, %transpose3A_174, %dot_general3A_175 {dimension_numbers = #tpu.dot_dimension_numbers<[1], [0], [0], [1], [0, 0, 1, 1], [], []>, transpose_lhs_hint = false} : vector<64x256xbf16>, vector<256x64xbf16>, vector<64x64xf32> -> vector<64x64xf32>
    %reduce_max3A_177 = arith.constant dense<0xFF800000> : vector<64xf32>
    %reduce_max3A_178 = vector.multi_reduction <maximumf>, %dot_general3A_176, %reduce_max3A_177 [1] : vector<64x64xf32> to vector<64xf32>
    %broadcast_in_dim3A_179 = vector.shape_cast %reduce_max3A_178 : vector<64xf32> to vector<64x1xf32>
    %sub3A_180 = vector.broadcast %broadcast_in_dim3A_179 : vector<64x1xf32> to vector<64x64xf32>
    %sub3A_181 = arith.subf %dot_general3A_176, %sub3A_180 : vector<64x64xf32>
    %exp3A_182 = math.exp %sub3A_181 : vector<64x64xf32>
    %reduce_sum3A_183 = arith.constant dense<0.000000e+00> : vector<64xf32>
    %reduce_sum3A_184 = vector.multi_reduction <add>, %exp3A_182, %reduce_sum3A_183 [1] : vector<64x64xf32> to vector<64xf32>
    %broadcast_in_dim3A_185 = vector.shape_cast %reduce_sum3A_184 : vector<64xf32> to vector<64x1xf32>
    %div3A_186 = vector.broadcast %broadcast_in_dim3A_185 : vector<64x1xf32> to vector<64x64xf32>
    %div3A_187 = arith.divf %exp3A_182, %div3A_186 : vector<64x64xf32>
    %convert_element_type3A_188 = arith.truncf %div3A_187 : vector<64x64xf32> to vector<64x64xbf16>
    %dot_general3A_189 = arith.constant dense<0.000000e+00> : vector<64x256xf32>
    %dot_general3A_190 = tpu.matmul %convert_element_type3A_188, %slice3A_173, %dot_general3A_189 {dimension_numbers = #tpu.dot_dimension_numbers<[1], [0], [0], [1], [0, 0, 1, 1], [], []>, transpose_lhs_hint = false} : vector<64x64xbf16>, vector<64x256xbf16>, vector<64x256xf32> -> vector<64x256xf32>
    %slice3A_191 = vector.extract_strided_slice %convert_element_type3A {offsets = [704, 0], sizes = [64, 256], strides = [1, 1]} : vector<4096x256xbf16> to vector<64x256xbf16>
    %transpose3A_192 = tpu.transpose %slice3A_191, [1, 0] : vector<64x256xbf16> -> vector<256x64xbf16>
    %dot_general3A_193 = arith.constant dense<0.000000e+00> : vector<64x64xf32>
    %dot_general3A_194 = tpu.matmul %slice3A_191, %transpose3A_192, %dot_general3A_193 {dimension_numbers = #tpu.dot_dimension_numbers<[1], [0], [0], [1], [0, 0, 1, 1], [], []>, transpose_lhs_hint = false} : vector<64x256xbf16>, vector<256x64xbf16>, vector<64x64xf32> -> vector<64x64xf32>
    %reduce_max3A_195 = arith.constant dense<0xFF800000> : vector<64xf32>
    %reduce_max3A_196 = vector.multi_reduction <maximumf>, %dot_general3A_194, %reduce_max3A_195 [1] : vector<64x64xf32> to vector<64xf32>
    %broadcast_in_dim3A_197 = vector.shape_cast %reduce_max3A_196 : vector<64xf32> to vector<64x1xf32>
    %sub3A_198 = vector.broadcast %broadcast_in_dim3A_197 : vector<64x1xf32> to vector<64x64xf32>
    %sub3A_199 = arith.subf %dot_general3A_194, %sub3A_198 : vector<64x64xf32>
    %exp3A_200 = math.exp %sub3A_199 : vector<64x64xf32>
    %reduce_sum3A_201 = arith.constant dense<0.000000e+00> : vector<64xf32>
    %reduce_sum3A_202 = vector.multi_reduction <add>, %exp3A_200, %reduce_sum3A_201 [1] : vector<64x64xf32> to vector<64xf32>
    %broadcast_in_dim3A_203 = vector.shape_cast %reduce_sum3A_202 : vector<64xf32> to vector<64x1xf32>
    %div3A_204 = vector.broadcast %broadcast_in_dim3A_203 : vector<64x1xf32> to vector<64x64xf32>
    %div3A_205 = arith.divf %exp3A_200, %div3A_204 : vector<64x64xf32>
    %convert_element_type3A_206 = arith.truncf %div3A_205 : vector<64x64xf32> to vector<64x64xbf16>
    %dot_general3A_207 = arith.constant dense<0.000000e+00> : vector<64x256xf32>
    %dot_general3A_208 = tpu.matmul %convert_element_type3A_206, %slice3A_191, %dot_general3A_207 {dimension_numbers = #tpu.dot_dimension_numbers<[1], [0], [0], [1], [0, 0, 1, 1], [], []>, transpose_lhs_hint = false} : vector<64x64xbf16>, vector<64x256xbf16>, vector<64x256xf32> -> vector<64x256xf32>
    %slice3A_209 = vector.extract_strided_slice %convert_element_type3A {offsets = [768, 0], sizes = [64, 256], strides = [1, 1]} : vector<4096x256xbf16> to vector<64x256xbf16>
    %transpose3A_210 = tpu.transpose %slice3A_209, [1, 0] : vector<64x256xbf16> -> vector<256x64xbf16>
    %dot_general3A_211 = arith.constant dense<0.000000e+00> : vector<64x64xf32>
    %dot_general3A_212 = tpu.matmul %slice3A_209, %transpose3A_210, %dot_general3A_211 {dimension_numbers = #tpu.dot_dimension_numbers<[1], [0], [0], [1], [0, 0, 1, 1], [], []>, transpose_lhs_hint = false} : vector<64x256xbf16>, vector<256x64xbf16>, vector<64x64xf32> -> vector<64x64xf32>
    %reduce_max3A_213 = arith.constant dense<0xFF800000> : vector<64xf32>
    %reduce_max3A_214 = vector.multi_reduction <maximumf>, %dot_general3A_212, %reduce_max3A_213 [1] : vector<64x64xf32> to vector<64xf32>
    %broadcast_in_dim3A_215 = vector.shape_cast %reduce_max3A_214 : vector<64xf32> to vector<64x1xf32>
    %sub3A_216 = vector.broadcast %broadcast_in_dim3A_215 : vector<64x1xf32> to vector<64x64xf32>
    %sub3A_217 = arith.subf %dot_general3A_212, %sub3A_216 : vector<64x64xf32>
    %exp3A_218 = math.exp %sub3A_217 : vector<64x64xf32>
    %reduce_sum3A_219 = arith.constant dense<0.000000e+00> : vector<64xf32>
    %reduce_sum3A_220 = vector.multi_reduction <add>, %exp3A_218, %reduce_sum3A_219 [1] : vector<64x64xf32> to vector<64xf32>
    %broadcast_in_dim3A_221 = vector.shape_cast %reduce_sum3A_220 : vector<64xf32> to vector<64x1xf32>
    %div3A_222 = vector.broadcast %broadcast_in_dim3A_221 : vector<64x1xf32> to vector<64x64xf32>
    %div3A_223 = arith.divf %exp3A_218, %div3A_222 : vector<64x64xf32>
    %convert_element_type3A_224 = arith.truncf %div3A_223 : vector<64x64xf32> to vector<64x64xbf16>
    %dot_general3A_225 = arith.constant dense<0.000000e+00> : vector<64x256xf32>
    %dot_general3A_226 = tpu.matmul %convert_element_type3A_224, %slice3A_209, %dot_general3A_225 {dimension_numbers = #tpu.dot_dimension_numbers<[1], [0], [0], [1], [0, 0, 1, 1], [], []>, transpose_lhs_hint = false} : vector<64x64xbf16>, vector<64x256xbf16>, vector<64x256xf32> -> vector<64x256xf32>
    %slice3A_227 = vector.extract_strided_slice %convert_element_type3A {offsets = [832, 0], sizes = [64, 256], strides = [1, 1]} : vector<4096x256xbf16> to vector<64x256xbf16>
    %transpose3A_228 = tpu.transpose %slice3A_227, [1, 0] : vector<64x256xbf16> -> vector<256x64xbf16>
    %dot_general3A_229 = arith.constant dense<0.000000e+00> : vector<64x64xf32>
    %dot_general3A_230 = tpu.matmul %slice3A_227, %transpose3A_228, %dot_general3A_229 {dimension_numbers = #tpu.dot_dimension_numbers<[1], [0], [0], [1], [0, 0, 1, 1], [], []>, transpose_lhs_hint = false} : vector<64x256xbf16>, vector<256x64xbf16>, vector<64x64xf32> -> vector<64x64xf32>
    %reduce_max3A_231 = arith.constant dense<0xFF800000> : vector<64xf32>
    %reduce_max3A_232 = vector.multi_reduction <maximumf>, %dot_general3A_230, %reduce_max3A_231 [1] : vector<64x64xf32> to vector<64xf32>
    %broadcast_in_dim3A_233 = vector.shape_cast %reduce_max3A_232 : vector<64xf32> to vector<64x1xf32>
    %sub3A_234 = vector.broadcast %broadcast_in_dim3A_233 : vector<64x1xf32> to vector<64x64xf32>
    %sub3A_235 = arith.subf %dot_general3A_230, %sub3A_234 : vector<64x64xf32>
    %exp3A_236 = math.exp %sub3A_235 : vector<64x64xf32>
    %reduce_sum3A_237 = arith.constant dense<0.000000e+00> : vector<64xf32>
    %reduce_sum3A_238 = vector.multi_reduction <add>, %exp3A_236, %reduce_sum3A_237 [1] : vector<64x64xf32> to vector<64xf32>
    %broadcast_in_dim3A_239 = vector.shape_cast %reduce_sum3A_238 : vector<64xf32> to vector<64x1xf32>
    %div3A_240 = vector.broadcast %broadcast_in_dim3A_239 : vector<64x1xf32> to vector<64x64xf32>
    %div3A_241 = arith.divf %exp3A_236, %div3A_240 : vector<64x64xf32>
    %convert_element_type3A_242 = arith.truncf %div3A_241 : vector<64x64xf32> to vector<64x64xbf16>
    %dot_general3A_243 = arith.constant dense<0.000000e+00> : vector<64x256xf32>
    %dot_general3A_244 = tpu.matmul %convert_element_type3A_242, %slice3A_227, %dot_general3A_243 {dimension_numbers = #tpu.dot_dimension_numbers<[1], [0], [0], [1], [0, 0, 1, 1], [], []>, transpose_lhs_hint = false} : vector<64x64xbf16>, vector<64x256xbf16>, vector<64x256xf32> -> vector<64x256xf32>
    %slice3A_245 = vector.extract_strided_slice %convert_element_type3A {offsets = [896, 0], sizes = [64, 256], strides = [1, 1]} : vector<4096x256xbf16> to vector<64x256xbf16>
    %transpose3A_246 = tpu.transpose %slice3A_245, [1, 0] : vector<64x256xbf16> -> vector<256x64xbf16>
    %dot_general3A_247 = arith.constant dense<0.000000e+00> : vector<64x64xf32>
    %dot_general3A_248 = tpu.matmul %slice3A_245, %transpose3A_246, %dot_general3A_247 {dimension_numbers = #tpu.dot_dimension_numbers<[1], [0], [0], [1], [0, 0, 1, 1], [], []>, transpose_lhs_hint = false} : vector<64x256xbf16>, vector<256x64xbf16>, vector<64x64xf32> -> vector<64x64xf32>
    %reduce_max3A_249 = arith.constant dense<0xFF800000> : vector<64xf32>
    %reduce_max3A_250 = vector.multi_reduction <maximumf>, %dot_general3A_248, %reduce_max3A_249 [1] : vector<64x64xf32> to vector<64xf32>
    %broadcast_in_dim3A_251 = vector.shape_cast %reduce_max3A_250 : vector<64xf32> to vector<64x1xf32>
    %sub3A_252 = vector.broadcast %broadcast_in_dim3A_251 : vector<64x1xf32> to vector<64x64xf32>
    %sub3A_253 = arith.subf %dot_general3A_248, %sub3A_252 : vector<64x64xf32>
    %exp3A_254 = math.exp %sub3A_253 : vector<64x64xf32>
    %reduce_sum3A_255 = arith.constant dense<0.000000e+00> : vector<64xf32>
    %reduce_sum3A_256 = vector.multi_reduction <add>, %exp3A_254, %reduce_sum3A_255 [1] : vector<64x64xf32> to vector<64xf32>
    %broadcast_in_dim3A_257 = vector.shape_cast %reduce_sum3A_256 : vector<64xf32> to vector<64x1xf32>
    %div3A_258 = vector.broadcast %broadcast_in_dim3A_257 : vector<64x1xf32> to vector<64x64xf32>
    %div3A_259 = arith.divf %exp3A_254, %div3A_258 : vector<64x64xf32>
    %convert_element_type3A_260 = arith.truncf %div3A_259 : vector<64x64xf32> to vector<64x64xbf16>
    %dot_general3A_261 = arith.constant dense<0.000000e+00> : vector<64x256xf32>
    %dot_general3A_262 = tpu.matmul %convert_element_type3A_260, %slice3A_245, %dot_general3A_261 {dimension_numbers = #tpu.dot_dimension_numbers<[1], [0], [0], [1], [0, 0, 1, 1], [], []>, transpose_lhs_hint = false} : vector<64x64xbf16>, vector<64x256xbf16>, vector<64x256xf32> -> vector<64x256xf32>
    %slice3A_263 = vector.extract_strided_slice %convert_element_type3A {offsets = [960, 0], sizes = [64, 256], strides = [1, 1]} : vector<4096x256xbf16> to vector<64x256xbf16>
    %transpose3A_264 = tpu.transpose %slice3A_263, [1, 0] : vector<64x256xbf16> -> vector<256x64xbf16>
    %dot_general3A_265 = arith.constant dense<0.000000e+00> : vector<64x64xf32>
    %dot_general3A_266 = tpu.matmul %slice3A_263, %transpose3A_264, %dot_general3A_265 {dimension_numbers = #tpu.dot_dimension_numbers<[1], [0], [0], [1], [0, 0, 1, 1], [], []>, transpose_lhs_hint = false} : vector<64x256xbf16>, vector<256x64xbf16>, vector<64x64xf32> -> vector<64x64xf32>
    %reduce_max3A_267 = arith.constant dense<0xFF800000> : vector<64xf32>
    %reduce_max3A_268 = vector.multi_reduction <maximumf>, %dot_general3A_266, %reduce_max3A_267 [1] : vector<64x64xf32> to vector<64xf32>
    %broadcast_in_dim3A_269 = vector.shape_cast %reduce_max3A_268 : vector<64xf32> to vector<64x1xf32>
    %sub3A_270 = vector.broadcast %broadcast_in_dim3A_269 : vector<64x1xf32> to vector<64x64xf32>
    %sub3A_271 = arith.subf %dot_general3A_266, %sub3A_270 : vector<64x64xf32>
    %exp3A_272 = math.exp %sub3A_271 : vector<64x64xf32>
    %reduce_sum3A_273 = arith.constant dense<0.000000e+00> : vector<64xf32>
    %reduce_sum3A_274 = vector.multi_reduction <add>, %exp3A_272, %reduce_sum3A_273 [1] : vector<64x64xf32> to vector<64xf32>
    %broadcast_in_dim3A_275 = vector.shape_cast %reduce_sum3A_274 : vector<64xf32> to vector<64x1xf32>
    %div3A_276 = vector.broadcast %broadcast_in_dim3A_275 : vector<64x1xf32> to vector<64x64xf32>
    %div3A_277 = arith.divf %exp3A_272, %div3A_276 : vector<64x64xf32>
    %convert_element_type3A_278 = arith.truncf %div3A_277 : vector<64x64xf32> to vector<64x64xbf16>
    %dot_general3A_279 = arith.constant dense<0.000000e+00> : vector<64x256xf32>
    %dot_general3A_280 = tpu.matmul %convert_element_type3A_278, %slice3A_263, %dot_general3A_279 {dimension_numbers = #tpu.dot_dimension_numbers<[1], [0], [0], [1], [0, 0, 1, 1], [], []>, transpose_lhs_hint = false} : vector<64x64xbf16>, vector<64x256xbf16>, vector<64x256xf32> -> vector<64x256xf32>
    %slice3A_281 = vector.extract_strided_slice %convert_element_type3A {offsets = [1024, 0], sizes = [64, 256], strides = [1, 1]} : vector<4096x256xbf16> to vector<64x256xbf16>
    %transpose3A_282 = tpu.transpose %slice3A_281, [1, 0] : vector<64x256xbf16> -> vector<256x64xbf16>
    %dot_general3A_283 = arith.constant dense<0.000000e+00> : vector<64x64xf32>
    %dot_general3A_284 = tpu.matmul %slice3A_281, %transpose3A_282, %dot_general3A_283 {dimension_numbers = #tpu.dot_dimension_numbers<[1], [0], [0], [1], [0, 0, 1, 1], [], []>, transpose_lhs_hint = false} : vector<64x256xbf16>, vector<256x64xbf16>, vector<64x64xf32> -> vector<64x64xf32>
    %reduce_max3A_285 = arith.constant dense<0xFF800000> : vector<64xf32>
    %reduce_max3A_286 = vector.multi_reduction <maximumf>, %dot_general3A_284, %reduce_max3A_285 [1] : vector<64x64xf32> to vector<64xf32>
    %broadcast_in_dim3A_287 = vector.shape_cast %reduce_max3A_286 : vector<64xf32> to vector<64x1xf32>
    %sub3A_288 = vector.broadcast %broadcast_in_dim3A_287 : vector<64x1xf32> to vector<64x64xf32>
    %sub3A_289 = arith.subf %dot_general3A_284, %sub3A_288 : vector<64x64xf32>
    %exp3A_290 = math.exp %sub3A_289 : vector<64x64xf32>
    %reduce_sum3A_291 = arith.constant dense<0.000000e+00> : vector<64xf32>
    %reduce_sum3A_292 = vector.multi_reduction <add>, %exp3A_290, %reduce_sum3A_291 [1] : vector<64x64xf32> to vector<64xf32>
    %broadcast_in_dim3A_293 = vector.shape_cast %reduce_sum3A_292 : vector<64xf32> to vector<64x1xf32>
    %div3A_294 = vector.broadcast %broadcast_in_dim3A_293 : vector<64x1xf32> to vector<64x64xf32>
    %div3A_295 = arith.divf %exp3A_290, %div3A_294 : vector<64x64xf32>
    %convert_element_type3A_296 = arith.truncf %div3A_295 : vector<64x64xf32> to vector<64x64xbf16>
    %dot_general3A_297 = arith.constant dense<0.000000e+00> : vector<64x256xf32>
    %dot_general3A_298 = tpu.matmul %convert_element_type3A_296, %slice3A_281, %dot_general3A_297 {dimension_numbers = #tpu.dot_dimension_numbers<[1], [0], [0], [1], [0, 0, 1, 1], [], []>, transpose_lhs_hint = false} : vector<64x64xbf16>, vector<64x256xbf16>, vector<64x256xf32> -> vector<64x256xf32>
    %slice3A_299 = vector.extract_strided_slice %convert_element_type3A {offsets = [1088, 0], sizes = [64, 256], strides = [1, 1]} : vector<4096x256xbf16> to vector<64x256xbf16>
    %transpose3A_300 = tpu.transpose %slice3A_299, [1, 0] : vector<64x256xbf16> -> vector<256x64xbf16>
    %dot_general3A_301 = arith.constant dense<0.000000e+00> : vector<64x64xf32>
    %dot_general3A_302 = tpu.matmul %slice3A_299, %transpose3A_300, %dot_general3A_301 {dimension_numbers = #tpu.dot_dimension_numbers<[1], [0], [0], [1], [0, 0, 1, 1], [], []>, transpose_lhs_hint = false} : vector<64x256xbf16>, vector<256x64xbf16>, vector<64x64xf32> -> vector<64x64xf32>
    %reduce_max3A_303 = arith.constant dense<0xFF800000> : vector<64xf32>
    %reduce_max3A_304 = vector.multi_reduction <maximumf>, %dot_general3A_302, %reduce_max3A_303 [1] : vector<64x64xf32> to vector<64xf32>
    %broadcast_in_dim3A_305 = vector.shape_cast %reduce_max3A_304 : vector<64xf32> to vector<64x1xf32>
    %sub3A_306 = vector.broadcast %broadcast_in_dim3A_305 : vector<64x1xf32> to vector<64x64xf32>
    %sub3A_307 = arith.subf %dot_general3A_302, %sub3A_306 : vector<64x64xf32>
    %exp3A_308 = math.exp %sub3A_307 : vector<64x64xf32>
    %reduce_sum3A_309 = arith.constant dense<0.000000e+00> : vector<64xf32>
    %reduce_sum3A_310 = vector.multi_reduction <add>, %exp3A_308, %reduce_sum3A_309 [1] : vector<64x64xf32> to vector<64xf32>
    %broadcast_in_dim3A_311 = vector.shape_cast %reduce_sum3A_310 : vector<64xf32> to vector<64x1xf32>
    %div3A_312 = vector.broadcast %broadcast_in_dim3A_311 : vector<64x1xf32> to vector<64x64xf32>
    %div3A_313 = arith.divf %exp3A_308, %div3A_312 : vector<64x64xf32>
    %convert_element_type3A_314 = arith.truncf %div3A_313 : vector<64x64xf32> to vector<64x64xbf16>
    %dot_general3A_315 = arith.constant dense<0.000000e+00> : vector<64x256xf32>
    %dot_general3A_316 = tpu.matmul %convert_element_type3A_314, %slice3A_299, %dot_general3A_315 {dimension_numbers = #tpu.dot_dimension_numbers<[1], [0], [0], [1], [0, 0, 1, 1], [], []>, transpose_lhs_hint = false} : vector<64x64xbf16>, vector<64x256xbf16>, vector<64x256xf32> -> vector<64x256xf32>
    %slice3A_317 = vector.extract_strided_slice %convert_element_type3A {offsets = [1152, 0], sizes = [64, 256], strides = [1, 1]} : vector<4096x256xbf16> to vector<64x256xbf16>
    %transpose3A_318 = tpu.transpose %slice3A_317, [1, 0] : vector<64x256xbf16> -> vector<256x64xbf16>
    %dot_general3A_319 = arith.constant dense<0.000000e+00> : vector<64x64xf32>
    %dot_general3A_320 = tpu.matmul %slice3A_317, %transpose3A_318, %dot_general3A_319 {dimension_numbers = #tpu.dot_dimension_numbers<[1], [0], [0], [1], [0, 0, 1, 1], [], []>, transpose_lhs_hint = false} : vector<64x256xbf16>, vector<256x64xbf16>, vector<64x64xf32> -> vector<64x64xf32>
    %reduce_max3A_321 = arith.constant dense<0xFF800000> : vector<64xf32>
    %reduce_max3A_322 = vector.multi_reduction <maximumf>, %dot_general3A_320, %reduce_max3A_321 [1] : vector<64x64xf32> to vector<64xf32>
    %broadcast_in_dim3A_323 = vector.shape_cast %reduce_max3A_322 : vector<64xf32> to vector<64x1xf32>
    %sub3A_324 = vector.broadcast %broadcast_in_dim3A_323 : vector<64x1xf32> to vector<64x64xf32>
    %sub3A_325 = arith.subf %dot_general3A_320, %sub3A_324 : vector<64x64xf32>
    %exp3A_326 = math.exp %sub3A_325 : vector<64x64xf32>
    %reduce_sum3A_327 = arith.constant dense<0.000000e+00> : vector<64xf32>
    %reduce_sum3A_328 = vector.multi_reduction <add>, %exp3A_326, %reduce_sum3A_327 [1] : vector<64x64xf32> to vector<64xf32>
    %broadcast_in_dim3A_329 = vector.shape_cast %reduce_sum3A_328 : vector<64xf32> to vector<64x1xf32>
    %div3A_330 = vector.broadcast %broadcast_in_dim3A_329 : vector<64x1xf32> to vector<64x64xf32>
    %div3A_331 = arith.divf %exp3A_326, %div3A_330 : vector<64x64xf32>
    %convert_element_type3A_332 = arith.truncf %div3A_331 : vector<64x64xf32> to vector<64x64xbf16>
    %dot_general3A_333 = arith.constant dense<0.000000e+00> : vector<64x256xf32>
    %dot_general3A_334 = tpu.matmul %convert_element_type3A_332, %slice3A_317, %dot_general3A_333 {dimension_numbers = #tpu.dot_dimension_numbers<[1], [0], [0], [1], [0, 0, 1, 1], [], []>, transpose_lhs_hint = false} : vector<64x64xbf16>, vector<64x256xbf16>, vector<64x256xf32> -> vector<64x256xf32>
    %slice3A_335 = vector.extract_strided_slice %convert_element_type3A {offsets = [1216, 0], sizes = [64, 256], strides = [1, 1]} : vector<4096x256xbf16> to vector<64x256xbf16>
    %transpose3A_336 = tpu.transpose %slice3A_335, [1, 0] : vector<64x256xbf16> -> vector<256x64xbf16>
    %dot_general3A_337 = arith.constant dense<0.000000e+00> : vector<64x64xf32>
    %dot_general3A_338 = tpu.matmul %slice3A_335, %transpose3A_336, %dot_general3A_337 {dimension_numbers = #tpu.dot_dimension_numbers<[1], [0], [0], [1], [0, 0, 1, 1], [], []>, transpose_lhs_hint = false} : vector<64x256xbf16>, vector<256x64xbf16>, vector<64x64xf32> -> vector<64x64xf32>
    %reduce_max3A_339 = arith.constant dense<0xFF800000> : vector<64xf32>
    %reduce_max3A_340 = vector.multi_reduction <maximumf>, %dot_general3A_338, %reduce_max3A_339 [1] : vector<64x64xf32> to vector<64xf32>
    %broadcast_in_dim3A_341 = vector.shape_cast %reduce_max3A_340 : vector<64xf32> to vector<64x1xf32>
    %sub3A_342 = vector.broadcast %broadcast_in_dim3A_341 : vector<64x1xf32> to vector<64x64xf32>
    %sub3A_343 = arith.subf %dot_general3A_338, %sub3A_342 : vector<64x64xf32>
    %exp3A_344 = math.exp %sub3A_343 : vector<64x64xf32>
    %reduce_sum3A_345 = arith.constant dense<0.000000e+00> : vector<64xf32>
    %reduce_sum3A_346 = vector.multi_reduction <add>, %exp3A_344, %reduce_sum3A_345 [1] : vector<64x64xf32> to vector<64xf32>
    %broadcast_in_dim3A_347 = vector.shape_cast %reduce_sum3A_346 : vector<64xf32> to vector<64x1xf32>
    %div3A_348 = vector.broadcast %broadcast_in_dim3A_347 : vector<64x1xf32> to vector<64x64xf32>
    %div3A_349 = arith.divf %exp3A_344, %div3A_348 : vector<64x64xf32>
    %convert_element_type3A_350 = arith.truncf %div3A_349 : vector<64x64xf32> to vector<64x64xbf16>
    %dot_general3A_351 = arith.constant dense<0.000000e+00> : vector<64x256xf32>
    %dot_general3A_352 = tpu.matmul %convert_element_type3A_350, %slice3A_335, %dot_general3A_351 {dimension_numbers = #tpu.dot_dimension_numbers<[1], [0], [0], [1], [0, 0, 1, 1], [], []>, transpose_lhs_hint = false} : vector<64x64xbf16>, vector<64x256xbf16>, vector<64x256xf32> -> vector<64x256xf32>
    %slice3A_353 = vector.extract_strided_slice %convert_element_type3A {offsets = [1280, 0], sizes = [64, 256], strides = [1, 1]} : vector<4096x256xbf16> to vector<64x256xbf16>
    %transpose3A_354 = tpu.transpose %slice3A_353, [1, 0] : vector<64x256xbf16> -> vector<256x64xbf16>
    %dot_general3A_355 = arith.constant dense<0.000000e+00> : vector<64x64xf32>
    %dot_general3A_356 = tpu.matmul %slice3A_353, %transpose3A_354, %dot_general3A_355 {dimension_numbers = #tpu.dot_dimension_numbers<[1], [0], [0], [1], [0, 0, 1, 1], [], []>, transpose_lhs_hint = false} : vector<64x256xbf16>, vector<256x64xbf16>, vector<64x64xf32> -> vector<64x64xf32>
    %reduce_max3A_357 = arith.constant dense<0xFF800000> : vector<64xf32>
    %reduce_max3A_358 = vector.multi_reduction <maximumf>, %dot_general3A_356, %reduce_max3A_357 [1] : vector<64x64xf32> to vector<64xf32>
    %broadcast_in_dim3A_359 = vector.shape_cast %reduce_max3A_358 : vector<64xf32> to vector<64x1xf32>
    %sub3A_360 = vector.broadcast %broadcast_in_dim3A_359 : vector<64x1xf32> to vector<64x64xf32>
    %sub3A_361 = arith.subf %dot_general3A_356, %sub3A_360 : vector<64x64xf32>
    %exp3A_362 = math.exp %sub3A_361 : vector<64x64xf32>
    %reduce_sum3A_363 = arith.constant dense<0.000000e+00> : vector<64xf32>
    %reduce_sum3A_364 = vector.multi_reduction <add>, %exp3A_362, %reduce_sum3A_363 [1] : vector<64x64xf32> to vector<64xf32>
    %broadcast_in_dim3A_365 = vector.shape_cast %reduce_sum3A_364 : vector<64xf32> to vector<64x1xf32>
    %div3A_366 = vector.broadcast %broadcast_in_dim3A_365 : vector<64x1xf32> to vector<64x64xf32>
    %div3A_367 = arith.divf %exp3A_362, %div3A_366 : vector<64x64xf32>
    %convert_element_type3A_368 = arith.truncf %div3A_367 : vector<64x64xf32> to vector<64x64xbf16>
    %dot_general3A_369 = arith.constant dense<0.000000e+00> : vector<64x256xf32>
    %dot_general3A_370 = tpu.matmul %convert_element_type3A_368, %slice3A_353, %dot_general3A_369 {dimension_numbers = #tpu.dot_dimension_numbers<[1], [0], [0], [1], [0, 0, 1, 1], [], []>, transpose_lhs_hint = false} : vector<64x64xbf16>, vector<64x256xbf16>, vector<64x256xf32> -> vector<64x256xf32>
    %slice3A_371 = vector.extract_strided_slice %convert_element_type3A {offsets = [1344, 0], sizes = [64, 256], strides = [1, 1]} : vector<4096x256xbf16> to vector<64x256xbf16>
    %transpose3A_372 = tpu.transpose %slice3A_371, [1, 0] : vector<64x256xbf16> -> vector<256x64xbf16>
    %dot_general3A_373 = arith.constant dense<0.000000e+00> : vector<64x64xf32>
    %dot_general3A_374 = tpu.matmul %slice3A_371, %transpose3A_372, %dot_general3A_373 {dimension_numbers = #tpu.dot_dimension_numbers<[1], [0], [0], [1], [0, 0, 1, 1], [], []>, transpose_lhs_hint = false} : vector<64x256xbf16>, vector<256x64xbf16>, vector<64x64xf32> -> vector<64x64xf32>
    %reduce_max3A_375 = arith.constant dense<0xFF800000> : vector<64xf32>
    %reduce_max3A_376 = vector.multi_reduction <maximumf>, %dot_general3A_374, %reduce_max3A_375 [1] : vector<64x64xf32> to vector<64xf32>
    %broadcast_in_dim3A_377 = vector.shape_cast %reduce_max3A_376 : vector<64xf32> to vector<64x1xf32>
    %sub3A_378 = vector.broadcast %broadcast_in_dim3A_377 : vector<64x1xf32> to vector<64x64xf32>
    %sub3A_379 = arith.subf %dot_general3A_374, %sub3A_378 : vector<64x64xf32>
    %exp3A_380 = math.exp %sub3A_379 : vector<64x64xf32>
    %reduce_sum3A_381 = arith.constant dense<0.000000e+00> : vector<64xf32>
    %reduce_sum3A_382 = vector.multi_reduction <add>, %exp3A_380, %reduce_sum3A_381 [1] : vector<64x64xf32> to vector<64xf32>
    %broadcast_in_dim3A_383 = vector.shape_cast %reduce_sum3A_382 : vector<64xf32> to vector<64x1xf32>
    %div3A_384 = vector.broadcast %broadcast_in_dim3A_383 : vector<64x1xf32> to vector<64x64xf32>
    %div3A_385 = arith.divf %exp3A_380, %div3A_384 : vector<64x64xf32>
    %convert_element_type3A_386 = arith.truncf %div3A_385 : vector<64x64xf32> to vector<64x64xbf16>
    %dot_general3A_387 = arith.constant dense<0.000000e+00> : vector<64x256xf32>
    %dot_general3A_388 = tpu.matmul %convert_element_type3A_386, %slice3A_371, %dot_general3A_387 {dimension_numbers = #tpu.dot_dimension_numbers<[1], [0], [0], [1], [0, 0, 1, 1], [], []>, transpose_lhs_hint = false} : vector<64x64xbf16>, vector<64x256xbf16>, vector<64x256xf32> -> vector<64x256xf32>
    %slice3A_389 = vector.extract_strided_slice %convert_element_type3A {offsets = [1408, 0], sizes = [64, 256], strides = [1, 1]} : vector<4096x256xbf16> to vector<64x256xbf16>
    %transpose3A_390 = tpu.transpose %slice3A_389, [1, 0] : vector<64x256xbf16> -> vector<256x64xbf16>
    %dot_general3A_391 = arith.constant dense<0.000000e+00> : vector<64x64xf32>
    %dot_general3A_392 = tpu.matmul %slice3A_389, %transpose3A_390, %dot_general3A_391 {dimension_numbers = #tpu.dot_dimension_numbers<[1], [0], [0], [1], [0, 0, 1, 1], [], []>, transpose_lhs_hint = false} : vector<64x256xbf16>, vector<256x64xbf16>, vector<64x64xf32> -> vector<64x64xf32>
    %reduce_max3A_393 = arith.constant dense<0xFF800000> : vector<64xf32>
    %reduce_max3A_394 = vector.multi_reduction <maximumf>, %dot_general3A_392, %reduce_max3A_393 [1] : vector<64x64xf32> to vector<64xf32>
    %broadcast_in_dim3A_395 = vector.shape_cast %reduce_max3A_394 : vector<64xf32> to vector<64x1xf32>
    %sub3A_396 = vector.broadcast %broadcast_in_dim3A_395 : vector<64x1xf32> to vector<64x64xf32>
    %sub3A_397 = arith.subf %dot_general3A_392, %sub3A_396 : vector<64x64xf32>
    %exp3A_398 = math.exp %sub3A_397 : vector<64x64xf32>
    %reduce_sum3A_399 = arith.constant dense<0.000000e+00> : vector<64xf32>
    %reduce_sum3A_400 = vector.multi_reduction <add>, %exp3A_398, %reduce_sum3A_399 [1] : vector<64x64xf32> to vector<64xf32>
    %broadcast_in_dim3A_401 = vector.shape_cast %reduce_sum3A_400 : vector<64xf32> to vector<64x1xf32>
    %div3A_402 = vector.broadcast %broadcast_in_dim3A_401 : vector<64x1xf32> to vector<64x64xf32>
    %div3A_403 = arith.divf %exp3A_398, %div3A_402 : vector<64x64xf32>
    %convert_element_type3A_404 = arith.truncf %div3A_403 : vector<64x64xf32> to vector<64x64xbf16>
    %dot_general3A_405 = arith.constant dense<0.000000e+00> : vector<64x256xf32>
    %dot_general3A_406 = tpu.matmul %convert_element_type3A_404, %slice3A_389, %dot_general3A_405 {dimension_numbers = #tpu.dot_dimension_numbers<[1], [0], [0], [1], [0, 0, 1, 1], [], []>, transpose_lhs_hint = false} : vector<64x64xbf16>, vector<64x256xbf16>, vector<64x256xf32> -> vector<64x256xf32>
    %slice3A_407 = vector.extract_strided_slice %convert_element_type3A {offsets = [1472, 0], sizes = [64, 256], strides = [1, 1]} : vector<4096x256xbf16> to vector<64x256xbf16>
    %transpose3A_408 = tpu.transpose %slice3A_407, [1, 0] : vector<64x256xbf16> -> vector<256x64xbf16>
    %dot_general3A_409 = arith.constant dense<0.000000e+00> : vector<64x64xf32>
    %dot_general3A_410 = tpu.matmul %slice3A_407, %transpose3A_408, %dot_general3A_409 {dimension_numbers = #tpu.dot_dimension_numbers<[1], [0], [0], [1], [0, 0, 1, 1], [], []>, transpose_lhs_hint = false} : vector<64x256xbf16>, vector<256x64xbf16>, vector<64x64xf32> -> vector<64x64xf32>
    %reduce_max3A_411 = arith.constant dense<0xFF800000> : vector<64xf32>
    %reduce_max3A_412 = vector.multi_reduction <maximumf>, %dot_general3A_410, %reduce_max3A_411 [1] : vector<64x64xf32> to vector<64xf32>
    %broadcast_in_dim3A_413 = vector.shape_cast %reduce_max3A_412 : vector<64xf32> to vector<64x1xf32>
    %sub3A_414 = vector.broadcast %broadcast_in_dim3A_413 : vector<64x1xf32> to vector<64x64xf32>
    %sub3A_415 = arith.subf %dot_general3A_410, %sub3A_414 : vector<64x64xf32>
    %exp3A_416 = math.exp %sub3A_415 : vector<64x64xf32>
    %reduce_sum3A_417 = arith.constant dense<0.000000e+00> : vector<64xf32>
    %reduce_sum3A_418 = vector.multi_reduction <add>, %exp3A_416, %reduce_sum3A_417 [1] : vector<64x64xf32> to vector<64xf32>
    %broadcast_in_dim3A_419 = vector.shape_cast %reduce_sum3A_418 : vector<64xf32> to vector<64x1xf32>
    %div3A_420 = vector.broadcast %broadcast_in_dim3A_419 : vector<64x1xf32> to vector<64x64xf32>
    %div3A_421 = arith.divf %exp3A_416, %div3A_420 : vector<64x64xf32>
    %convert_element_type3A_422 = arith.truncf %div3A_421 : vector<64x64xf32> to vector<64x64xbf16>
    %dot_general3A_423 = arith.constant dense<0.000000e+00> : vector<64x256xf32>
    %dot_general3A_424 = tpu.matmul %convert_element_type3A_422, %slice3A_407, %dot_general3A_423 {dimension_numbers = #tpu.dot_dimension_numbers<[1], [0], [0], [1], [0, 0, 1, 1], [], []>, transpose_lhs_hint = false} : vector<64x64xbf16>, vector<64x256xbf16>, vector<64x256xf32> -> vector<64x256xf32>
    %slice3A_425 = vector.extract_strided_slice %convert_element_type3A {offsets = [1536, 0], sizes = [64, 256], strides = [1, 1]} : vector<4096x256xbf16> to vector<64x256xbf16>
    %transpose3A_426 = tpu.transpose %slice3A_425, [1, 0] : vector<64x256xbf16> -> vector<256x64xbf16>
    %dot_general3A_427 = arith.constant dense<0.000000e+00> : vector<64x64xf32>
    %dot_general3A_428 = tpu.matmul %slice3A_425, %transpose3A_426, %dot_general3A_427 {dimension_numbers = #tpu.dot_dimension_numbers<[1], [0], [0], [1], [0, 0, 1, 1], [], []>, transpose_lhs_hint = false} : vector<64x256xbf16>, vector<256x64xbf16>, vector<64x64xf32> -> vector<64x64xf32>
    %reduce_max3A_429 = arith.constant dense<0xFF800000> : vector<64xf32>
    %reduce_max3A_430 = vector.multi_reduction <maximumf>, %dot_general3A_428, %reduce_max3A_429 [1] : vector<64x64xf32> to vector<64xf32>
    %broadcast_in_dim3A_431 = vector.shape_cast %reduce_max3A_430 : vector<64xf32> to vector<64x1xf32>
    %sub3A_432 = vector.broadcast %broadcast_in_dim3A_431 : vector<64x1xf32> to vector<64x64xf32>
    %sub3A_433 = arith.subf %dot_general3A_428, %sub3A_432 : vector<64x64xf32>
    %exp3A_434 = math.exp %sub3A_433 : vector<64x64xf32>
    %reduce_sum3A_435 = arith.constant dense<0.000000e+00> : vector<64xf32>
    %reduce_sum3A_436 = vector.multi_reduction <add>, %exp3A_434, %reduce_sum3A_435 [1] : vector<64x64xf32> to vector<64xf32>
    %broadcast_in_dim3A_437 = vector.shape_cast %reduce_sum3A_436 : vector<64xf32> to vector<64x1xf32>
    %div3A_438 = vector.broadcast %broadcast_in_dim3A_437 : vector<64x1xf32> to vector<64x64xf32>
    %div3A_439 = arith.divf %exp3A_434, %div3A_438 : vector<64x64xf32>
    %convert_element_type3A_440 = arith.truncf %div3A_439 : vector<64x64xf32> to vector<64x64xbf16>
    %dot_general3A_441 = arith.constant dense<0.000000e+00> : vector<64x256xf32>
    %dot_general3A_442 = tpu.matmul %convert_element_type3A_440, %slice3A_425, %dot_general3A_441 {dimension_numbers = #tpu.dot_dimension_numbers<[1], [0], [0], [1], [0, 0, 1, 1], [], []>, transpose_lhs_hint = false} : vector<64x64xbf16>, vector<64x256xbf16>, vector<64x256xf32> -> vector<64x256xf32>
    %slice3A_443 = vector.extract_strided_slice %convert_element_type3A {offsets = [1600, 0], sizes = [64, 256], strides = [1, 1]} : vector<4096x256xbf16> to vector<64x256xbf16>
    %transpose3A_444 = tpu.transpose %slice3A_443, [1, 0] : vector<64x256xbf16> -> vector<256x64xbf16>
    %dot_general3A_445 = arith.constant dense<0.000000e+00> : vector<64x64xf32>
    %dot_general3A_446 = tpu.matmul %slice3A_443, %transpose3A_444, %dot_general3A_445 {dimension_numbers = #tpu.dot_dimension_numbers<[1], [0], [0], [1], [0, 0, 1, 1], [], []>, transpose_lhs_hint = false} : vector<64x256xbf16>, vector<256x64xbf16>, vector<64x64xf32> -> vector<64x64xf32>
    %reduce_max3A_447 = arith.constant dense<0xFF800000> : vector<64xf32>
    %reduce_max3A_448 = vector.multi_reduction <maximumf>, %dot_general3A_446, %reduce_max3A_447 [1] : vector<64x64xf32> to vector<64xf32>
    %broadcast_in_dim3A_449 = vector.shape_cast %reduce_max3A_448 : vector<64xf32> to vector<64x1xf32>
    %sub3A_450 = vector.broadcast %broadcast_in_dim3A_449 : vector<64x1xf32> to vector<64x64xf32>
    %sub3A_451 = arith.subf %dot_general3A_446, %sub3A_450 : vector<64x64xf32>
    %exp3A_452 = math.exp %sub3A_451 : vector<64x64xf32>
    %reduce_sum3A_453 = arith.constant dense<0.000000e+00> : vector<64xf32>
    %reduce_sum3A_454 = vector.multi_reduction <add>, %exp3A_452, %reduce_sum3A_453 [1] : vector<64x64xf32> to vector<64xf32>
    %broadcast_in_dim3A_455 = vector.shape_cast %reduce_sum3A_454 : vector<64xf32> to vector<64x1xf32>
    %div3A_456 = vector.broadcast %broadcast_in_dim3A_455 : vector<64x1xf32> to vector<64x64xf32>
    %div3A_457 = arith.divf %exp3A_452, %div3A_456 : vector<64x64xf32>
    %convert_element_type3A_458 = arith.truncf %div3A_457 : vector<64x64xf32> to vector<64x64xbf16>
    %dot_general3A_459 = arith.constant dense<0.000000e+00> : vector<64x256xf32>
    %dot_general3A_460 = tpu.matmul %convert_element_type3A_458, %slice3A_443, %dot_general3A_459 {dimension_numbers = #tpu.dot_dimension_numbers<[1], [0], [0], [1], [0, 0, 1, 1], [], []>, transpose_lhs_hint = false} : vector<64x64xbf16>, vector<64x256xbf16>, vector<64x256xf32> -> vector<64x256xf32>
    %slice3A_461 = vector.extract_strided_slice %convert_element_type3A {offsets = [1664, 0], sizes = [64, 256], strides = [1, 1]} : vector<4096x256xbf16> to vector<64x256xbf16>
    %transpose3A_462 = tpu.transpose %slice3A_461, [1, 0] : vector<64x256xbf16> -> vector<256x64xbf16>
    %dot_general3A_463 = arith.constant dense<0.000000e+00> : vector<64x64xf32>
    %dot_general3A_464 = tpu.matmul %slice3A_461, %transpose3A_462, %dot_general3A_463 {dimension_numbers = #tpu.dot_dimension_numbers<[1], [0], [0], [1], [0, 0, 1, 1], [], []>, transpose_lhs_hint = false} : vector<64x256xbf16>, vector<256x64xbf16>, vector<64x64xf32> -> vector<64x64xf32>
    %reduce_max3A_465 = arith.constant dense<0xFF800000> : vector<64xf32>
    %reduce_max3A_466 = vector.multi_reduction <maximumf>, %dot_general3A_464, %reduce_max3A_465 [1] : vector<64x64xf32> to vector<64xf32>
    %broadcast_in_dim3A_467 = vector.shape_cast %reduce_max3A_466 : vector<64xf32> to vector<64x1xf32>
    %sub3A_468 = vector.broadcast %broadcast_in_dim3A_467 : vector<64x1xf32> to vector<64x64xf32>
    %sub3A_469 = arith.subf %dot_general3A_464, %sub3A_468 : vector<64x64xf32>
    %exp3A_470 = math.exp %sub3A_469 : vector<64x64xf32>
    %reduce_sum3A_471 = arith.constant dense<0.000000e+00> : vector<64xf32>
    %reduce_sum3A_472 = vector.multi_reduction <add>, %exp3A_470, %reduce_sum3A_471 [1] : vector<64x64xf32> to vector<64xf32>
    %broadcast_in_dim3A_473 = vector.shape_cast %reduce_sum3A_472 : vector<64xf32> to vector<64x1xf32>
    %div3A_474 = vector.broadcast %broadcast_in_dim3A_473 : vector<64x1xf32> to vector<64x64xf32>
    %div3A_475 = arith.divf %exp3A_470, %div3A_474 : vector<64x64xf32>
    %convert_element_type3A_476 = arith.truncf %div3A_475 : vector<64x64xf32> to vector<64x64xbf16>
    %dot_general3A_477 = arith.constant dense<0.000000e+00> : vector<64x256xf32>
    %dot_general3A_478 = tpu.matmul %convert_element_type3A_476, %slice3A_461, %dot_general3A_477 {dimension_numbers = #tpu.dot_dimension_numbers<[1], [0], [0], [1], [0, 0, 1, 1], [], []>, transpose_lhs_hint = false} : vector<64x64xbf16>, vector<64x256xbf16>, vector<64x256xf32> -> vector<64x256xf32>
    %slice3A_479 = vector.extract_strided_slice %convert_element_type3A {offsets = [1728, 0], sizes = [64, 256], strides = [1, 1]} : vector<4096x256xbf16> to vector<64x256xbf16>
    %transpose3A_480 = tpu.transpose %slice3A_479, [1, 0] : vector<64x256xbf16> -> vector<256x64xbf16>
    %dot_general3A_481 = arith.constant dense<0.000000e+00> : vector<64x64xf32>
    %dot_general3A_482 = tpu.matmul %slice3A_479, %transpose3A_480, %dot_general3A_481 {dimension_numbers = #tpu.dot_dimension_numbers<[1], [0], [0], [1], [0, 0, 1, 1], [], []>, transpose_lhs_hint = false} : vector<64x256xbf16>, vector<256x64xbf16>, vector<64x64xf32> -> vector<64x64xf32>
    %reduce_max3A_483 = arith.constant dense<0xFF800000> : vector<64xf32>
    %reduce_max3A_484 = vector.multi_reduction <maximumf>, %dot_general3A_482, %reduce_max3A_483 [1] : vector<64x64xf32> to vector<64xf32>
    %broadcast_in_dim3A_485 = vector.shape_cast %reduce_max3A_484 : vector<64xf32> to vector<64x1xf32>
    %sub3A_486 = vector.broadcast %broadcast_in_dim3A_485 : vector<64x1xf32> to vector<64x64xf32>
    %sub3A_487 = arith.subf %dot_general3A_482, %sub3A_486 : vector<64x64xf32>
    %exp3A_488 = math.exp %sub3A_487 : vector<64x64xf32>
    %reduce_sum3A_489 = arith.constant dense<0.000000e+00> : vector<64xf32>
    %reduce_sum3A_490 = vector.multi_reduction <add>, %exp3A_488, %reduce_sum3A_489 [1] : vector<64x64xf32> to vector<64xf32>
    %broadcast_in_dim3A_491 = vector.shape_cast %reduce_sum3A_490 : vector<64xf32> to vector<64x1xf32>
    %div3A_492 = vector.broadcast %broadcast_in_dim3A_491 : vector<64x1xf32> to vector<64x64xf32>
    %div3A_493 = arith.divf %exp3A_488, %div3A_492 : vector<64x64xf32>
    %convert_element_type3A_494 = arith.truncf %div3A_493 : vector<64x64xf32> to vector<64x64xbf16>
    %dot_general3A_495 = arith.constant dense<0.000000e+00> : vector<64x256xf32>
    %dot_general3A_496 = tpu.matmul %convert_element_type3A_494, %slice3A_479, %dot_general3A_495 {dimension_numbers = #tpu.dot_dimension_numbers<[1], [0], [0], [1], [0, 0, 1, 1], [], []>, transpose_lhs_hint = false} : vector<64x64xbf16>, vector<64x256xbf16>, vector<64x256xf32> -> vector<64x256xf32>
    %slice3A_497 = vector.extract_strided_slice %convert_element_type3A {offsets = [1792, 0], sizes = [64, 256], strides = [1, 1]} : vector<4096x256xbf16> to vector<64x256xbf16>
    %transpose3A_498 = tpu.transpose %slice3A_497, [1, 0] : vector<64x256xbf16> -> vector<256x64xbf16>
    %dot_general3A_499 = arith.constant dense<0.000000e+00> : vector<64x64xf32>
    %dot_general3A_500 = tpu.matmul %slice3A_497, %transpose3A_498, %dot_general3A_499 {dimension_numbers = #tpu.dot_dimension_numbers<[1], [0], [0], [1], [0, 0, 1, 1], [], []>, transpose_lhs_hint = false} : vector<64x256xbf16>, vector<256x64xbf16>, vector<64x64xf32> -> vector<64x64xf32>
    %reduce_max3A_501 = arith.constant dense<0xFF800000> : vector<64xf32>
    %reduce_max3A_502 = vector.multi_reduction <maximumf>, %dot_general3A_500, %reduce_max3A_501 [1] : vector<64x64xf32> to vector<64xf32>
    %broadcast_in_dim3A_503 = vector.shape_cast %reduce_max3A_502 : vector<64xf32> to vector<64x1xf32>
    %sub3A_504 = vector.broadcast %broadcast_in_dim3A_503 : vector<64x1xf32> to vector<64x64xf32>
    %sub3A_505 = arith.subf %dot_general3A_500, %sub3A_504 : vector<64x64xf32>
    %exp3A_506 = math.exp %sub3A_505 : vector<64x64xf32>
    %reduce_sum3A_507 = arith.constant dense<0.000000e+00> : vector<64xf32>
    %reduce_sum3A_508 = vector.multi_reduction <add>, %exp3A_506, %reduce_sum3A_507 [1] : vector<64x64xf32> to vector<64xf32>
    %broadcast_in_dim3A_509 = vector.shape_cast %reduce_sum3A_508 : vector<64xf32> to vector<64x1xf32>
    %div3A_510 = vector.broadcast %broadcast_in_dim3A_509 : vector<64x1xf32> to vector<64x64xf32>
    %div3A_511 = arith.divf %exp3A_506, %div3A_510 : vector<64x64xf32>
    %convert_element_type3A_512 = arith.truncf %div3A_511 : vector<64x64xf32> to vector<64x64xbf16>
    %dot_general3A_513 = arith.constant dense<0.000000e+00> : vector<64x256xf32>
    %dot_general3A_514 = tpu.matmul %convert_element_type3A_512, %slice3A_497, %dot_general3A_513 {dimension_numbers = #tpu.dot_dimension_numbers<[1], [0], [0], [1], [0, 0, 1, 1], [], []>, transpose_lhs_hint = false} : vector<64x64xbf16>, vector<64x256xbf16>, vector<64x256xf32> -> vector<64x256xf32>
    %slice3A_515 = vector.extract_strided_slice %convert_element_type3A {offsets = [1856, 0], sizes = [64, 256], strides = [1, 1]} : vector<4096x256xbf16> to vector<64x256xbf16>
    %transpose3A_516 = tpu.transpose %slice3A_515, [1, 0] : vector<64x256xbf16> -> vector<256x64xbf16>
    %dot_general3A_517 = arith.constant dense<0.000000e+00> : vector<64x64xf32>
    %dot_general3A_518 = tpu.matmul %slice3A_515, %transpose3A_516, %dot_general3A_517 {dimension_numbers = #tpu.dot_dimension_numbers<[1], [0], [0], [1], [0, 0, 1, 1], [], []>, transpose_lhs_hint = false} : vector<64x256xbf16>, vector<256x64xbf16>, vector<64x64xf32> -> vector<64x64xf32>
    %reduce_max3A_519 = arith.constant dense<0xFF800000> : vector<64xf32>
    %reduce_max3A_520 = vector.multi_reduction <maximumf>, %dot_general3A_518, %reduce_max3A_519 [1] : vector<64x64xf32> to vector<64xf32>
    %broadcast_in_dim3A_521 = vector.shape_cast %reduce_max3A_520 : vector<64xf32> to vector<64x1xf32>
    %sub3A_522 = vector.broadcast %broadcast_in_dim3A_521 : vector<64x1xf32> to vector<64x64xf32>
    %sub3A_523 = arith.subf %dot_general3A_518, %sub3A_522 : vector<64x64xf32>
    %exp3A_524 = math.exp %sub3A_523 : vector<64x64xf32>
    %reduce_sum3A_525 = arith.constant dense<0.000000e+00> : vector<64xf32>
    %reduce_sum3A_526 = vector.multi_reduction <add>, %exp3A_524, %reduce_sum3A_525 [1] : vector<64x64xf32> to vector<64xf32>
    %broadcast_in_dim3A_527 = vector.shape_cast %reduce_sum3A_526 : vector<64xf32> to vector<64x1xf32>
    %div3A_528 = vector.broadcast %broadcast_in_dim3A_527 : vector<64x1xf32> to vector<64x64xf32>
    %div3A_529 = arith.divf %exp3A_524, %div3A_528 : vector<64x64xf32>
    %convert_element_type3A_530 = arith.truncf %div3A_529 : vector<64x64xf32> to vector<64x64xbf16>
    %dot_general3A_531 = arith.constant dense<0.000000e+00> : vector<64x256xf32>
    %dot_general3A_532 = tpu.matmul %convert_element_type3A_530, %slice3A_515, %dot_general3A_531 {dimension_numbers = #tpu.dot_dimension_numbers<[1], [0], [0], [1], [0, 0, 1, 1], [], []>, transpose_lhs_hint = false} : vector<64x64xbf16>, vector<64x256xbf16>, vector<64x256xf32> -> vector<64x256xf32>
    %slice3A_533 = vector.extract_strided_slice %convert_element_type3A {offsets = [1920, 0], sizes = [64, 256], strides = [1, 1]} : vector<4096x256xbf16> to vector<64x256xbf16>
    %transpose3A_534 = tpu.transpose %slice3A_533, [1, 0] : vector<64x256xbf16> -> vector<256x64xbf16>
    %dot_general3A_535 = arith.constant dense<0.000000e+00> : vector<64x64xf32>
    %dot_general3A_536 = tpu.matmul %slice3A_533, %transpose3A_534, %dot_general3A_535 {dimension_numbers = #tpu.dot_dimension_numbers<[1], [0], [0], [1], [0, 0, 1, 1], [], []>, transpose_lhs_hint = false} : vector<64x256xbf16>, vector<256x64xbf16>, vector<64x64xf32> -> vector<64x64xf32>
    %reduce_max3A_537 = arith.constant dense<0xFF800000> : vector<64xf32>
    %reduce_max3A_538 = vector.multi_reduction <maximumf>, %dot_general3A_536, %reduce_max3A_537 [1] : vector<64x64xf32> to vector<64xf32>
    %broadcast_in_dim3A_539 = vector.shape_cast %reduce_max3A_538 : vector<64xf32> to vector<64x1xf32>
    %sub3A_540 = vector.broadcast %broadcast_in_dim3A_539 : vector<64x1xf32> to vector<64x64xf32>
    %sub3A_541 = arith.subf %dot_general3A_536, %sub3A_540 : vector<64x64xf32>
    %exp3A_542 = math.exp %sub3A_541 : vector<64x64xf32>
    %reduce_sum3A_543 = arith.constant dense<0.000000e+00> : vector<64xf32>
    %reduce_sum3A_544 = vector.multi_reduction <add>, %exp3A_542, %reduce_sum3A_543 [1] : vector<64x64xf32> to vector<64xf32>
    %broadcast_in_dim3A_545 = vector.shape_cast %reduce_sum3A_544 : vector<64xf32> to vector<64x1xf32>
    %div3A_546 = vector.broadcast %broadcast_in_dim3A_545 : vector<64x1xf32> to vector<64x64xf32>
    %div3A_547 = arith.divf %exp3A_542, %div3A_546 : vector<64x64xf32>
    %convert_element_type3A_548 = arith.truncf %div3A_547 : vector<64x64xf32> to vector<64x64xbf16>
    %dot_general3A_549 = arith.constant dense<0.000000e+00> : vector<64x256xf32>
    %dot_general3A_550 = tpu.matmul %convert_element_type3A_548, %slice3A_533, %dot_general3A_549 {dimension_numbers = #tpu.dot_dimension_numbers<[1], [0], [0], [1], [0, 0, 1, 1], [], []>, transpose_lhs_hint = false} : vector<64x64xbf16>, vector<64x256xbf16>, vector<64x256xf32> -> vector<64x256xf32>
    %slice3A_551 = vector.extract_strided_slice %convert_element_type3A {offsets = [1984, 0], sizes = [64, 256], strides = [1, 1]} : vector<4096x256xbf16> to vector<64x256xbf16>
    %transpose3A_552 = tpu.transpose %slice3A_551, [1, 0] : vector<64x256xbf16> -> vector<256x64xbf16>
    %dot_general3A_553 = arith.constant dense<0.000000e+00> : vector<64x64xf32>
    %dot_general3A_554 = tpu.matmul %slice3A_551, %transpose3A_552, %dot_general3A_553 {dimension_numbers = #tpu.dot_dimension_numbers<[1], [0], [0], [1], [0, 0, 1, 1], [], []>, transpose_lhs_hint = false} : vector<64x256xbf16>, vector<256x64xbf16>, vector<64x64xf32> -> vector<64x64xf32>
    %reduce_max3A_555 = arith.constant dense<0xFF800000> : vector<64xf32>
    %reduce_max3A_556 = vector.multi_reduction <maximumf>, %dot_general3A_554, %reduce_max3A_555 [1] : vector<64x64xf32> to vector<64xf32>
    %broadcast_in_dim3A_557 = vector.shape_cast %reduce_max3A_556 : vector<64xf32> to vector<64x1xf32>
    %sub3A_558 = vector.broadcast %broadcast_in_dim3A_557 : vector<64x1xf32> to vector<64x64xf32>
    %sub3A_559 = arith.subf %dot_general3A_554, %sub3A_558 : vector<64x64xf32>
    %exp3A_560 = math.exp %sub3A_559 : vector<64x64xf32>
    %reduce_sum3A_561 = arith.constant dense<0.000000e+00> : vector<64xf32>
    %reduce_sum3A_562 = vector.multi_reduction <add>, %exp3A_560, %reduce_sum3A_561 [1] : vector<64x64xf32> to vector<64xf32>
    %broadcast_in_dim3A_563 = vector.shape_cast %reduce_sum3A_562 : vector<64xf32> to vector<64x1xf32>
    %div3A_564 = vector.broadcast %broadcast_in_dim3A_563 : vector<64x1xf32> to vector<64x64xf32>
    %div3A_565 = arith.divf %exp3A_560, %div3A_564 : vector<64x64xf32>
    %convert_element_type3A_566 = arith.truncf %div3A_565 : vector<64x64xf32> to vector<64x64xbf16>
    %dot_general3A_567 = arith.constant dense<0.000000e+00> : vector<64x256xf32>
    %dot_general3A_568 = tpu.matmul %convert_element_type3A_566, %slice3A_551, %dot_general3A_567 {dimension_numbers = #tpu.dot_dimension_numbers<[1], [0], [0], [1], [0, 0, 1, 1], [], []>, transpose_lhs_hint = false} : vector<64x64xbf16>, vector<64x256xbf16>, vector<64x256xf32> -> vector<64x256xf32>
    %slice3A_569 = vector.extract_strided_slice %convert_element_type3A {offsets = [2048, 0], sizes = [64, 256], strides = [1, 1]} : vector<4096x256xbf16> to vector<64x256xbf16>
    %transpose3A_570 = tpu.transpose %slice3A_569, [1, 0] : vector<64x256xbf16> -> vector<256x64xbf16>
    %dot_general3A_571 = arith.constant dense<0.000000e+00> : vector<64x64xf32>
    %dot_general3A_572 = tpu.matmul %slice3A_569, %transpose3A_570, %dot_general3A_571 {dimension_numbers = #tpu.dot_dimension_numbers<[1], [0], [0], [1], [0, 0, 1, 1], [], []>, transpose_lhs_hint = false} : vector<64x256xbf16>, vector<256x64xbf16>, vector<64x64xf32> -> vector<64x64xf32>
    %reduce_max3A_573 = arith.constant dense<0xFF800000> : vector<64xf32>
    %reduce_max3A_574 = vector.multi_reduction <maximumf>, %dot_general3A_572, %reduce_max3A_573 [1] : vector<64x64xf32> to vector<64xf32>
    %broadcast_in_dim3A_575 = vector.shape_cast %reduce_max3A_574 : vector<64xf32> to vector<64x1xf32>
    %sub3A_576 = vector.broadcast %broadcast_in_dim3A_575 : vector<64x1xf32> to vector<64x64xf32>
    %sub3A_577 = arith.subf %dot_general3A_572, %sub3A_576 : vector<64x64xf32>
    %exp3A_578 = math.exp %sub3A_577 : vector<64x64xf32>
    %reduce_sum3A_579 = arith.constant dense<0.000000e+00> : vector<64xf32>
    %reduce_sum3A_580 = vector.multi_reduction <add>, %exp3A_578, %reduce_sum3A_579 [1] : vector<64x64xf32> to vector<64xf32>
    %broadcast_in_dim3A_581 = vector.shape_cast %reduce_sum3A_580 : vector<64xf32> to vector<64x1xf32>
    %div3A_582 = vector.broadcast %broadcast_in_dim3A_581 : vector<64x1xf32> to vector<64x64xf32>
    %div3A_583 = arith.divf %exp3A_578, %div3A_582 : vector<64x64xf32>
    %convert_element_type3A_584 = arith.truncf %div3A_583 : vector<64x64xf32> to vector<64x64xbf16>
    %dot_general3A_585 = arith.constant dense<0.000000e+00> : vector<64x256xf32>
    %dot_general3A_586 = tpu.matmul %convert_element_type3A_584, %slice3A_569, %dot_general3A_585 {dimension_numbers = #tpu.dot_dimension_numbers<[1], [0], [0], [1], [0, 0, 1, 1], [], []>, transpose_lhs_hint = false} : vector<64x64xbf16>, vector<64x256xbf16>, vector<64x256xf32> -> vector<64x256xf32>
    %slice3A_587 = vector.extract_strided_slice %convert_element_type3A {offsets = [2112, 0], sizes = [64, 256], strides = [1, 1]} : vector<4096x256xbf16> to vector<64x256xbf16>
    %transpose3A_588 = tpu.transpose %slice3A_587, [1, 0] : vector<64x256xbf16> -> vector<256x64xbf16>
    %dot_general3A_589 = arith.constant dense<0.000000e+00> : vector<64x64xf32>
    %dot_general3A_590 = tpu.matmul %slice3A_587, %transpose3A_588, %dot_general3A_589 {dimension_numbers = #tpu.dot_dimension_numbers<[1], [0], [0], [1], [0, 0, 1, 1], [], []>, transpose_lhs_hint = false} : vector<64x256xbf16>, vector<256x64xbf16>, vector<64x64xf32> -> vector<64x64xf32>
    %reduce_max3A_591 = arith.constant dense<0xFF800000> : vector<64xf32>
    %reduce_max3A_592 = vector.multi_reduction <maximumf>, %dot_general3A_590, %reduce_max3A_591 [1] : vector<64x64xf32> to vector<64xf32>
    %broadcast_in_dim3A_593 = vector.shape_cast %reduce_max3A_592 : vector<64xf32> to vector<64x1xf32>
    %sub3A_594 = vector.broadcast %broadcast_in_dim3A_593 : vector<64x1xf32> to vector<64x64xf32>
    %sub3A_595 = arith.subf %dot_general3A_590, %sub3A_594 : vector<64x64xf32>
    %exp3A_596 = math.exp %sub3A_595 : vector<64x64xf32>
    %reduce_sum3A_597 = arith.constant dense<0.000000e+00> : vector<64xf32>
    %reduce_sum3A_598 = vector.multi_reduction <add>, %exp3A_596, %reduce_sum3A_597 [1] : vector<64x64xf32> to vector<64xf32>
    %broadcast_in_dim3A_599 = vector.shape_cast %reduce_sum3A_598 : vector<64xf32> to vector<64x1xf32>
    %div3A_600 = vector.broadcast %broadcast_in_dim3A_599 : vector<64x1xf32> to vector<64x64xf32>
    %div3A_601 = arith.divf %exp3A_596, %div3A_600 : vector<64x64xf32>
    %convert_element_type3A_602 = arith.truncf %div3A_601 : vector<64x64xf32> to vector<64x64xbf16>
    %dot_general3A_603 = arith.constant dense<0.000000e+00> : vector<64x256xf32>
    %dot_general3A_604 = tpu.matmul %convert_element_type3A_602, %slice3A_587, %dot_general3A_603 {dimension_numbers = #tpu.dot_dimension_numbers<[1], [0], [0], [1], [0, 0, 1, 1], [], []>, transpose_lhs_hint = false} : vector<64x64xbf16>, vector<64x256xbf16>, vector<64x256xf32> -> vector<64x256xf32>
    %slice3A_605 = vector.extract_strided_slice %convert_element_type3A {offsets = [2176, 0], sizes = [64, 256], strides = [1, 1]} : vector<4096x256xbf16> to vector<64x256xbf16>
    %transpose3A_606 = tpu.transpose %slice3A_605, [1, 0] : vector<64x256xbf16> -> vector<256x64xbf16>
    %dot_general3A_607 = arith.constant dense<0.000000e+00> : vector<64x64xf32>
    %dot_general3A_608 = tpu.matmul %slice3A_605, %transpose3A_606, %dot_general3A_607 {dimension_numbers = #tpu.dot_dimension_numbers<[1], [0], [0], [1], [0, 0, 1, 1], [], []>, transpose_lhs_hint = false} : vector<64x256xbf16>, vector<256x64xbf16>, vector<64x64xf32> -> vector<64x64xf32>
    %reduce_max3A_609 = arith.constant dense<0xFF800000> : vector<64xf32>
    %reduce_max3A_610 = vector.multi_reduction <maximumf>, %dot_general3A_608, %reduce_max3A_609 [1] : vector<64x64xf32> to vector<64xf32>
    %broadcast_in_dim3A_611 = vector.shape_cast %reduce_max3A_610 : vector<64xf32> to vector<64x1xf32>
    %sub3A_612 = vector.broadcast %broadcast_in_dim3A_611 : vector<64x1xf32> to vector<64x64xf32>
    %sub3A_613 = arith.subf %dot_general3A_608, %sub3A_612 : vector<64x64xf32>
    %exp3A_614 = math.exp %sub3A_613 : vector<64x64xf32>
    %reduce_sum3A_615 = arith.constant dense<0.000000e+00> : vector<64xf32>
    %reduce_sum3A_616 = vector.multi_reduction <add>, %exp3A_614, %reduce_sum3A_615 [1] : vector<64x64xf32> to vector<64xf32>
    %broadcast_in_dim3A_617 = vector.shape_cast %reduce_sum3A_616 : vector<64xf32> to vector<64x1xf32>
    %div3A_618 = vector.broadcast %broadcast_in_dim3A_617 : vector<64x1xf32> to vector<64x64xf32>
    %div3A_619 = arith.divf %exp3A_614, %div3A_618 : vector<64x64xf32>
    %convert_element_type3A_620 = arith.truncf %div3A_619 : vector<64x64xf32> to vector<64x64xbf16>
    %dot_general3A_621 = arith.constant dense<0.000000e+00> : vector<64x256xf32>
    %dot_general3A_622 = tpu.matmul %convert_element_type3A_620, %slice3A_605, %dot_general3A_621 {dimension_numbers = #tpu.dot_dimension_numbers<[1], [0], [0], [1], [0, 0, 1, 1], [], []>, transpose_lhs_hint = false} : vector<64x64xbf16>, vector<64x256xbf16>, vector<64x256xf32> -> vector<64x256xf32>
    %slice3A_623 = vector.extract_strided_slice %convert_element_type3A {offsets = [2240, 0], sizes = [64, 256], strides = [1, 1]} : vector<4096x256xbf16> to vector<64x256xbf16>
    %transpose3A_624 = tpu.transpose %slice3A_623, [1, 0] : vector<64x256xbf16> -> vector<256x64xbf16>
    %dot_general3A_625 = arith.constant dense<0.000000e+00> : vector<64x64xf32>
    %dot_general3A_626 = tpu.matmul %slice3A_623, %transpose3A_624, %dot_general3A_625 {dimension_numbers = #tpu.dot_dimension_numbers<[1], [0], [0], [1], [0, 0, 1, 1], [], []>, transpose_lhs_hint = false} : vector<64x256xbf16>, vector<256x64xbf16>, vector<64x64xf32> -> vector<64x64xf32>
    %reduce_max3A_627 = arith.constant dense<0xFF800000> : vector<64xf32>
    %reduce_max3A_628 = vector.multi_reduction <maximumf>, %dot_general3A_626, %reduce_max3A_627 [1] : vector<64x64xf32> to vector<64xf32>
    %broadcast_in_dim3A_629 = vector.shape_cast %reduce_max3A_628 : vector<64xf32> to vector<64x1xf32>
    %sub3A_630 = vector.broadcast %broadcast_in_dim3A_629 : vector<64x1xf32> to vector<64x64xf32>
    %sub3A_631 = arith.subf %dot_general3A_626, %sub3A_630 : vector<64x64xf32>
    %exp3A_632 = math.exp %sub3A_631 : vector<64x64xf32>
    %reduce_sum3A_633 = arith.constant dense<0.000000e+00> : vector<64xf32>
    %reduce_sum3A_634 = vector.multi_reduction <add>, %exp3A_632, %reduce_sum3A_633 [1] : vector<64x64xf32> to vector<64xf32>
    %broadcast_in_dim3A_635 = vector.shape_cast %reduce_sum3A_634 : vector<64xf32> to vector<64x1xf32>
    %div3A_636 = vector.broadcast %broadcast_in_dim3A_635 : vector<64x1xf32> to vector<64x64xf32>
    %div3A_637 = arith.divf %exp3A_632, %div3A_636 : vector<64x64xf32>
    %convert_element_type3A_638 = arith.truncf %div3A_637 : vector<64x64xf32> to vector<64x64xbf16>
    %dot_general3A_639 = arith.constant dense<0.000000e+00> : vector<64x256xf32>
    %dot_general3A_640 = tpu.matmul %convert_element_type3A_638, %slice3A_623, %dot_general3A_639 {dimension_numbers = #tpu.dot_dimension_numbers<[1], [0], [0], [1], [0, 0, 1, 1], [], []>, transpose_lhs_hint = false} : vector<64x64xbf16>, vector<64x256xbf16>, vector<64x256xf32> -> vector<64x256xf32>
    %slice3A_641 = vector.extract_strided_slice %convert_element_type3A {offsets = [2304, 0], sizes = [64, 256], strides = [1, 1]} : vector<4096x256xbf16> to vector<64x256xbf16>
    %transpose3A_642 = tpu.transpose %slice3A_641, [1, 0] : vector<64x256xbf16> -> vector<256x64xbf16>
    %dot_general3A_643 = arith.constant dense<0.000000e+00> : vector<64x64xf32>
    %dot_general3A_644 = tpu.matmul %slice3A_641, %transpose3A_642, %dot_general3A_643 {dimension_numbers = #tpu.dot_dimension_numbers<[1], [0], [0], [1], [0, 0, 1, 1], [], []>, transpose_lhs_hint = false} : vector<64x256xbf16>, vector<256x64xbf16>, vector<64x64xf32> -> vector<64x64xf32>
    %reduce_max3A_645 = arith.constant dense<0xFF800000> : vector<64xf32>
    %reduce_max3A_646 = vector.multi_reduction <maximumf>, %dot_general3A_644, %reduce_max3A_645 [1] : vector<64x64xf32> to vector<64xf32>
    %broadcast_in_dim3A_647 = vector.shape_cast %reduce_max3A_646 : vector<64xf32> to vector<64x1xf32>
    %sub3A_648 = vector.broadcast %broadcast_in_dim3A_647 : vector<64x1xf32> to vector<64x64xf32>
    %sub3A_649 = arith.subf %dot_general3A_644, %sub3A_648 : vector<64x64xf32>
    %exp3A_650 = math.exp %sub3A_649 : vector<64x64xf32>
    %reduce_sum3A_651 = arith.constant dense<0.000000e+00> : vector<64xf32>
    %reduce_sum3A_652 = vector.multi_reduction <add>, %exp3A_650, %reduce_sum3A_651 [1] : vector<64x64xf32> to vector<64xf32>
    %broadcast_in_dim3A_653 = vector.shape_cast %reduce_sum3A_652 : vector<64xf32> to vector<64x1xf32>
    %div3A_654 = vector.broadcast %broadcast_in_dim3A_653 : vector<64x1xf32> to vector<64x64xf32>
    %div3A_655 = arith.divf %exp3A_650, %div3A_654 : vector<64x64xf32>
    %convert_element_type3A_656 = arith.truncf %div3A_655 : vector<64x64xf32> to vector<64x64xbf16>
    %dot_general3A_657 = arith.constant dense<0.000000e+00> : vector<64x256xf32>
    %dot_general3A_658 = tpu.matmul %convert_element_type3A_656, %slice3A_641, %dot_general3A_657 {dimension_numbers = #tpu.dot_dimension_numbers<[1], [0], [0], [1], [0, 0, 1, 1], [], []>, transpose_lhs_hint = false} : vector<64x64xbf16>, vector<64x256xbf16>, vector<64x256xf32> -> vector<64x256xf32>
    %slice3A_659 = vector.extract_strided_slice %convert_element_type3A {offsets = [2368, 0], sizes = [64, 256], strides = [1, 1]} : vector<4096x256xbf16> to vector<64x256xbf16>
    %transpose3A_660 = tpu.transpose %slice3A_659, [1, 0] : vector<64x256xbf16> -> vector<256x64xbf16>
    %dot_general3A_661 = arith.constant dense<0.000000e+00> : vector<64x64xf32>
    %dot_general3A_662 = tpu.matmul %slice3A_659, %transpose3A_660, %dot_general3A_661 {dimension_numbers = #tpu.dot_dimension_numbers<[1], [0], [0], [1], [0, 0, 1, 1], [], []>, transpose_lhs_hint = false} : vector<64x256xbf16>, vector<256x64xbf16>, vector<64x64xf32> -> vector<64x64xf32>
    %reduce_max3A_663 = arith.constant dense<0xFF800000> : vector<64xf32>
    %reduce_max3A_664 = vector.multi_reduction <maximumf>, %dot_general3A_662, %reduce_max3A_663 [1] : vector<64x64xf32> to vector<64xf32>
    %broadcast_in_dim3A_665 = vector.shape_cast %reduce_max3A_664 : vector<64xf32> to vector<64x1xf32>
    %sub3A_666 = vector.broadcast %broadcast_in_dim3A_665 : vector<64x1xf32> to vector<64x64xf32>
    %sub3A_667 = arith.subf %dot_general3A_662, %sub3A_666 : vector<64x64xf32>
    %exp3A_668 = math.exp %sub3A_667 : vector<64x64xf32>
    %reduce_sum3A_669 = arith.constant dense<0.000000e+00> : vector<64xf32>
    %reduce_sum3A_670 = vector.multi_reduction <add>, %exp3A_668, %reduce_sum3A_669 [1] : vector<64x64xf32> to vector<64xf32>
    %broadcast_in_dim3A_671 = vector.shape_cast %reduce_sum3A_670 : vector<64xf32> to vector<64x1xf32>
    %div3A_672 = vector.broadcast %broadcast_in_dim3A_671 : vector<64x1xf32> to vector<64x64xf32>
    %div3A_673 = arith.divf %exp3A_668, %div3A_672 : vector<64x64xf32>
    %convert_element_type3A_674 = arith.truncf %div3A_673 : vector<64x64xf32> to vector<64x64xbf16>
    %dot_general3A_675 = arith.constant dense<0.000000e+00> : vector<64x256xf32>
    %dot_general3A_676 = tpu.matmul %convert_element_type3A_674, %slice3A_659, %dot_general3A_675 {dimension_numbers = #tpu.dot_dimension_numbers<[1], [0], [0], [1], [0, 0, 1, 1], [], []>, transpose_lhs_hint = false} : vector<64x64xbf16>, vector<64x256xbf16>, vector<64x256xf32> -> vector<64x256xf32>
    %slice3A_677 = vector.extract_strided_slice %convert_element_type3A {offsets = [2432, 0], sizes = [64, 256], strides = [1, 1]} : vector<4096x256xbf16> to vector<64x256xbf16>
    %transpose3A_678 = tpu.transpose %slice3A_677, [1, 0] : vector<64x256xbf16> -> vector<256x64xbf16>
    %dot_general3A_679 = arith.constant dense<0.000000e+00> : vector<64x64xf32>
    %dot_general3A_680 = tpu.matmul %slice3A_677, %transpose3A_678, %dot_general3A_679 {dimension_numbers = #tpu.dot_dimension_numbers<[1], [0], [0], [1], [0, 0, 1, 1], [], []>, transpose_lhs_hint = false} : vector<64x256xbf16>, vector<256x64xbf16>, vector<64x64xf32> -> vector<64x64xf32>
    %reduce_max3A_681 = arith.constant dense<0xFF800000> : vector<64xf32>
    %reduce_max3A_682 = vector.multi_reduction <maximumf>, %dot_general3A_680, %reduce_max3A_681 [1] : vector<64x64xf32> to vector<64xf32>
    %broadcast_in_dim3A_683 = vector.shape_cast %reduce_max3A_682 : vector<64xf32> to vector<64x1xf32>
    %sub3A_684 = vector.broadcast %broadcast_in_dim3A_683 : vector<64x1xf32> to vector<64x64xf32>
    %sub3A_685 = arith.subf %dot_general3A_680, %sub3A_684 : vector<64x64xf32>
    %exp3A_686 = math.exp %sub3A_685 : vector<64x64xf32>
    %reduce_sum3A_687 = arith.constant dense<0.000000e+00> : vector<64xf32>
    %reduce_sum3A_688 = vector.multi_reduction <add>, %exp3A_686, %reduce_sum3A_687 [1] : vector<64x64xf32> to vector<64xf32>
    %broadcast_in_dim3A_689 = vector.shape_cast %reduce_sum3A_688 : vector<64xf32> to vector<64x1xf32>
    %div3A_690 = vector.broadcast %broadcast_in_dim3A_689 : vector<64x1xf32> to vector<64x64xf32>
    %div3A_691 = arith.divf %exp3A_686, %div3A_690 : vector<64x64xf32>
    %convert_element_type3A_692 = arith.truncf %div3A_691 : vector<64x64xf32> to vector<64x64xbf16>
    %dot_general3A_693 = arith.constant dense<0.000000e+00> : vector<64x256xf32>
    %dot_general3A_694 = tpu.matmul %convert_element_type3A_692, %slice3A_677, %dot_general3A_693 {dimension_numbers = #tpu.dot_dimension_numbers<[1], [0], [0], [1], [0, 0, 1, 1], [], []>, transpose_lhs_hint = false} : vector<64x64xbf16>, vector<64x256xbf16>, vector<64x256xf32> -> vector<64x256xf32>
    %slice3A_695 = vector.extract_strided_slice %convert_element_type3A {offsets = [2496, 0], sizes = [64, 256], strides = [1, 1]} : vector<4096x256xbf16> to vector<64x256xbf16>
    %transpose3A_696 = tpu.transpose %slice3A_695, [1, 0] : vector<64x256xbf16> -> vector<256x64xbf16>
    %dot_general3A_697 = arith.constant dense<0.000000e+00> : vector<64x64xf32>
    %dot_general3A_698 = tpu.matmul %slice3A_695, %transpose3A_696, %dot_general3A_697 {dimension_numbers = #tpu.dot_dimension_numbers<[1], [0], [0], [1], [0, 0, 1, 1], [], []>, transpose_lhs_hint = false} : vector<64x256xbf16>, vector<256x64xbf16>, vector<64x64xf32> -> vector<64x64xf32>
    %reduce_max3A_699 = arith.constant dense<0xFF800000> : vector<64xf32>
    %reduce_max3A_700 = vector.multi_reduction <maximumf>, %dot_general3A_698, %reduce_max3A_699 [1] : vector<64x64xf32> to vector<64xf32>
    %broadcast_in_dim3A_701 = vector.shape_cast %reduce_max3A_700 : vector<64xf32> to vector<64x1xf32>
    %sub3A_702 = vector.broadcast %broadcast_in_dim3A_701 : vector<64x1xf32> to vector<64x64xf32>
    %sub3A_703 = arith.subf %dot_general3A_698, %sub3A_702 : vector<64x64xf32>
    %exp3A_704 = math.exp %sub3A_703 : vector<64x64xf32>
    %reduce_sum3A_705 = arith.constant dense<0.000000e+00> : vector<64xf32>
    %reduce_sum3A_706 = vector.multi_reduction <add>, %exp3A_704, %reduce_sum3A_705 [1] : vector<64x64xf32> to vector<64xf32>
    %broadcast_in_dim3A_707 = vector.shape_cast %reduce_sum3A_706 : vector<64xf32> to vector<64x1xf32>
    %div3A_708 = vector.broadcast %broadcast_in_dim3A_707 : vector<64x1xf32> to vector<64x64xf32>
    %div3A_709 = arith.divf %exp3A_704, %div3A_708 : vector<64x64xf32>
    %convert_element_type3A_710 = arith.truncf %div3A_709 : vector<64x64xf32> to vector<64x64xbf16>
    %dot_general3A_711 = arith.constant dense<0.000000e+00> : vector<64x256xf32>
    %dot_general3A_712 = tpu.matmul %convert_element_type3A_710, %slice3A_695, %dot_general3A_711 {dimension_numbers = #tpu.dot_dimension_numbers<[1], [0], [0], [1], [0, 0, 1, 1], [], []>, transpose_lhs_hint = false} : vector<64x64xbf16>, vector<64x256xbf16>, vector<64x256xf32> -> vector<64x256xf32>
    %slice3A_713 = vector.extract_strided_slice %convert_element_type3A {offsets = [2560, 0], sizes = [64, 256], strides = [1, 1]} : vector<4096x256xbf16> to vector<64x256xbf16>
    %transpose3A_714 = tpu.transpose %slice3A_713, [1, 0] : vector<64x256xbf16> -> vector<256x64xbf16>
    %dot_general3A_715 = arith.constant dense<0.000000e+00> : vector<64x64xf32>
    %dot_general3A_716 = tpu.matmul %slice3A_713, %transpose3A_714, %dot_general3A_715 {dimension_numbers = #tpu.dot_dimension_numbers<[1], [0], [0], [1], [0, 0, 1, 1], [], []>, transpose_lhs_hint = false} : vector<64x256xbf16>, vector<256x64xbf16>, vector<64x64xf32> -> vector<64x64xf32>
    %reduce_max3A_717 = arith.constant dense<0xFF800000> : vector<64xf32>
    %reduce_max3A_718 = vector.multi_reduction <maximumf>, %dot_general3A_716, %reduce_max3A_717 [1] : vector<64x64xf32> to vector<64xf32>
    %broadcast_in_dim3A_719 = vector.shape_cast %reduce_max3A_718 : vector<64xf32> to vector<64x1xf32>
    %sub3A_720 = vector.broadcast %broadcast_in_dim3A_719 : vector<64x1xf32> to vector<64x64xf32>
    %sub3A_721 = arith.subf %dot_general3A_716, %sub3A_720 : vector<64x64xf32>
    %exp3A_722 = math.exp %sub3A_721 : vector<64x64xf32>
    %reduce_sum3A_723 = arith.constant dense<0.000000e+00> : vector<64xf32>
    %reduce_sum3A_724 = vector.multi_reduction <add>, %exp3A_722, %reduce_sum3A_723 [1] : vector<64x64xf32> to vector<64xf32>
    %broadcast_in_dim3A_725 = vector.shape_cast %reduce_sum3A_724 : vector<64xf32> to vector<64x1xf32>
    %div3A_726 = vector.broadcast %broadcast_in_dim3A_725 : vector<64x1xf32> to vector<64x64xf32>
    %div3A_727 = arith.divf %exp3A_722, %div3A_726 : vector<64x64xf32>
    %convert_element_type3A_728 = arith.truncf %div3A_727 : vector<64x64xf32> to vector<64x64xbf16>
    %dot_general3A_729 = arith.constant dense<0.000000e+00> : vector<64x256xf32>
    %dot_general3A_730 = tpu.matmul %convert_element_type3A_728, %slice3A_713, %dot_general3A_729 {dimension_numbers = #tpu.dot_dimension_numbers<[1], [0], [0], [1], [0, 0, 1, 1], [], []>, transpose_lhs_hint = false} : vector<64x64xbf16>, vector<64x256xbf16>, vector<64x256xf32> -> vector<64x256xf32>
    %slice3A_731 = vector.extract_strided_slice %convert_element_type3A {offsets = [2624, 0], sizes = [64, 256], strides = [1, 1]} : vector<4096x256xbf16> to vector<64x256xbf16>
    %transpose3A_732 = tpu.transpose %slice3A_731, [1, 0] : vector<64x256xbf16> -> vector<256x64xbf16>
    %dot_general3A_733 = arith.constant dense<0.000000e+00> : vector<64x64xf32>
    %dot_general3A_734 = tpu.matmul %slice3A_731, %transpose3A_732, %dot_general3A_733 {dimension_numbers = #tpu.dot_dimension_numbers<[1], [0], [0], [1], [0, 0, 1, 1], [], []>, transpose_lhs_hint = false} : vector<64x256xbf16>, vector<256x64xbf16>, vector<64x64xf32> -> vector<64x64xf32>
    %reduce_max3A_735 = arith.constant dense<0xFF800000> : vector<64xf32>
    %reduce_max3A_736 = vector.multi_reduction <maximumf>, %dot_general3A_734, %reduce_max3A_735 [1] : vector<64x64xf32> to vector<64xf32>
    %broadcast_in_dim3A_737 = vector.shape_cast %reduce_max3A_736 : vector<64xf32> to vector<64x1xf32>
    %sub3A_738 = vector.broadcast %broadcast_in_dim3A_737 : vector<64x1xf32> to vector<64x64xf32>
    %sub3A_739 = arith.subf %dot_general3A_734, %sub3A_738 : vector<64x64xf32>
    %exp3A_740 = math.exp %sub3A_739 : vector<64x64xf32>
    %reduce_sum3A_741 = arith.constant dense<0.000000e+00> : vector<64xf32>
    %reduce_sum3A_742 = vector.multi_reduction <add>, %exp3A_740, %reduce_sum3A_741 [1] : vector<64x64xf32> to vector<64xf32>
    %broadcast_in_dim3A_743 = vector.shape_cast %reduce_sum3A_742 : vector<64xf32> to vector<64x1xf32>
    %div3A_744 = vector.broadcast %broadcast_in_dim3A_743 : vector<64x1xf32> to vector<64x64xf32>
    %div3A_745 = arith.divf %exp3A_740, %div3A_744 : vector<64x64xf32>
    %convert_element_type3A_746 = arith.truncf %div3A_745 : vector<64x64xf32> to vector<64x64xbf16>
    %dot_general3A_747 = arith.constant dense<0.000000e+00> : vector<64x256xf32>
    %dot_general3A_748 = tpu.matmul %convert_element_type3A_746, %slice3A_731, %dot_general3A_747 {dimension_numbers = #tpu.dot_dimension_numbers<[1], [0], [0], [1], [0, 0, 1, 1], [], []>, transpose_lhs_hint = false} : vector<64x64xbf16>, vector<64x256xbf16>, vector<64x256xf32> -> vector<64x256xf32>
    %slice3A_749 = vector.extract_strided_slice %convert_element_type3A {offsets = [2688, 0], sizes = [64, 256], strides = [1, 1]} : vector<4096x256xbf16> to vector<64x256xbf16>
    %transpose3A_750 = tpu.transpose %slice3A_749, [1, 0] : vector<64x256xbf16> -> vector<256x64xbf16>
    %dot_general3A_751 = arith.constant dense<0.000000e+00> : vector<64x64xf32>
    %dot_general3A_752 = tpu.matmul %slice3A_749, %transpose3A_750, %dot_general3A_751 {dimension_numbers = #tpu.dot_dimension_numbers<[1], [0], [0], [1], [0, 0, 1, 1], [], []>, transpose_lhs_hint = false} : vector<64x256xbf16>, vector<256x64xbf16>, vector<64x64xf32> -> vector<64x64xf32>
    %reduce_max3A_753 = arith.constant dense<0xFF800000> : vector<64xf32>
    %reduce_max3A_754 = vector.multi_reduction <maximumf>, %dot_general3A_752, %reduce_max3A_753 [1] : vector<64x64xf32> to vector<64xf32>
    %broadcast_in_dim3A_755 = vector.shape_cast %reduce_max3A_754 : vector<64xf32> to vector<64x1xf32>
    %sub3A_756 = vector.broadcast %broadcast_in_dim3A_755 : vector<64x1xf32> to vector<64x64xf32>
    %sub3A_757 = arith.subf %dot_general3A_752, %sub3A_756 : vector<64x64xf32>
    %exp3A_758 = math.exp %sub3A_757 : vector<64x64xf32>
    %reduce_sum3A_759 = arith.constant dense<0.000000e+00> : vector<64xf32>
    %reduce_sum3A_760 = vector.multi_reduction <add>, %exp3A_758, %reduce_sum3A_759 [1] : vector<64x64xf32> to vector<64xf32>
    %broadcast_in_dim3A_761 = vector.shape_cast %reduce_sum3A_760 : vector<64xf32> to vector<64x1xf32>
    %div3A_762 = vector.broadcast %broadcast_in_dim3A_761 : vector<64x1xf32> to vector<64x64xf32>
    %div3A_763 = arith.divf %exp3A_758, %div3A_762 : vector<64x64xf32>
    %convert_element_type3A_764 = arith.truncf %div3A_763 : vector<64x64xf32> to vector<64x64xbf16>
    %dot_general3A_765 = arith.constant dense<0.000000e+00> : vector<64x256xf32>
    %dot_general3A_766 = tpu.matmul %convert_element_type3A_764, %slice3A_749, %dot_general3A_765 {dimension_numbers = #tpu.dot_dimension_numbers<[1], [0], [0], [1], [0, 0, 1, 1], [], []>, transpose_lhs_hint = false} : vector<64x64xbf16>, vector<64x256xbf16>, vector<64x256xf32> -> vector<64x256xf32>
    %slice3A_767 = vector.extract_strided_slice %convert_element_type3A {offsets = [2752, 0], sizes = [64, 256], strides = [1, 1]} : vector<4096x256xbf16> to vector<64x256xbf16>
    %transpose3A_768 = tpu.transpose %slice3A_767, [1, 0] : vector<64x256xbf16> -> vector<256x64xbf16>
    %dot_general3A_769 = arith.constant dense<0.000000e+00> : vector<64x64xf32>
    %dot_general3A_770 = tpu.matmul %slice3A_767, %transpose3A_768, %dot_general3A_769 {dimension_numbers = #tpu.dot_dimension_numbers<[1], [0], [0], [1], [0, 0, 1, 1], [], []>, transpose_lhs_hint = false} : vector<64x256xbf16>, vector<256x64xbf16>, vector<64x64xf32> -> vector<64x64xf32>
    %reduce_max3A_771 = arith.constant dense<0xFF800000> : vector<64xf32>
    %reduce_max3A_772 = vector.multi_reduction <maximumf>, %dot_general3A_770, %reduce_max3A_771 [1] : vector<64x64xf32> to vector<64xf32>
    %broadcast_in_dim3A_773 = vector.shape_cast %reduce_max3A_772 : vector<64xf32> to vector<64x1xf32>
    %sub3A_774 = vector.broadcast %broadcast_in_dim3A_773 : vector<64x1xf32> to vector<64x64xf32>
    %sub3A_775 = arith.subf %dot_general3A_770, %sub3A_774 : vector<64x64xf32>
    %exp3A_776 = math.exp %sub3A_775 : vector<64x64xf32>
    %reduce_sum3A_777 = arith.constant dense<0.000000e+00> : vector<64xf32>
    %reduce_sum3A_778 = vector.multi_reduction <add>, %exp3A_776, %reduce_sum3A_777 [1] : vector<64x64xf32> to vector<64xf32>
    %broadcast_in_dim3A_779 = vector.shape_cast %reduce_sum3A_778 : vector<64xf32> to vector<64x1xf32>
    %div3A_780 = vector.broadcast %broadcast_in_dim3A_779 : vector<64x1xf32> to vector<64x64xf32>
    %div3A_781 = arith.divf %exp3A_776, %div3A_780 : vector<64x64xf32>
    %convert_element_type3A_782 = arith.truncf %div3A_781 : vector<64x64xf32> to vector<64x64xbf16>
    %dot_general3A_783 = arith.constant dense<0.000000e+00> : vector<64x256xf32>
    %dot_general3A_784 = tpu.matmul %convert_element_type3A_782, %slice3A_767, %dot_general3A_783 {dimension_numbers = #tpu.dot_dimension_numbers<[1], [0], [0], [1], [0, 0, 1, 1], [], []>, transpose_lhs_hint = false} : vector<64x64xbf16>, vector<64x256xbf16>, vector<64x256xf32> -> vector<64x256xf32>
    %slice3A_785 = vector.extract_strided_slice %convert_element_type3A {offsets = [2816, 0], sizes = [64, 256], strides = [1, 1]} : vector<4096x256xbf16> to vector<64x256xbf16>
    %transpose3A_786 = tpu.transpose %slice3A_785, [1, 0] : vector<64x256xbf16> -> vector<256x64xbf16>
    %dot_general3A_787 = arith.constant dense<0.000000e+00> : vector<64x64xf32>
    %dot_general3A_788 = tpu.matmul %slice3A_785, %transpose3A_786, %dot_general3A_787 {dimension_numbers = #tpu.dot_dimension_numbers<[1], [0], [0], [1], [0, 0, 1, 1], [], []>, transpose_lhs_hint = false} : vector<64x256xbf16>, vector<256x64xbf16>, vector<64x64xf32> -> vector<64x64xf32>
    %reduce_max3A_789 = arith.constant dense<0xFF800000> : vector<64xf32>
    %reduce_max3A_790 = vector.multi_reduction <maximumf>, %dot_general3A_788, %reduce_max3A_789 [1] : vector<64x64xf32> to vector<64xf32>
    %broadcast_in_dim3A_791 = vector.shape_cast %reduce_max3A_790 : vector<64xf32> to vector<64x1xf32>
    %sub3A_792 = vector.broadcast %broadcast_in_dim3A_791 : vector<64x1xf32> to vector<64x64xf32>
    %sub3A_793 = arith.subf %dot_general3A_788, %sub3A_792 : vector<64x64xf32>
    %exp3A_794 = math.exp %sub3A_793 : vector<64x64xf32>
    %reduce_sum3A_795 = arith.constant dense<0.000000e+00> : vector<64xf32>
    %reduce_sum3A_796 = vector.multi_reduction <add>, %exp3A_794, %reduce_sum3A_795 [1] : vector<64x64xf32> to vector<64xf32>
    %broadcast_in_dim3A_797 = vector.shape_cast %reduce_sum3A_796 : vector<64xf32> to vector<64x1xf32>
    %div3A_798 = vector.broadcast %broadcast_in_dim3A_797 : vector<64x1xf32> to vector<64x64xf32>
    %div3A_799 = arith.divf %exp3A_794, %div3A_798 : vector<64x64xf32>
    %convert_element_type3A_800 = arith.truncf %div3A_799 : vector<64x64xf32> to vector<64x64xbf16>
    %dot_general3A_801 = arith.constant dense<0.000000e+00> : vector<64x256xf32>
    %dot_general3A_802 = tpu.matmul %convert_element_type3A_800, %slice3A_785, %dot_general3A_801 {dimension_numbers = #tpu.dot_dimension_numbers<[1], [0], [0], [1], [0, 0, 1, 1], [], []>, transpose_lhs_hint = false} : vector<64x64xbf16>, vector<64x256xbf16>, vector<64x256xf32> -> vector<64x256xf32>
    %slice3A_803 = vector.extract_strided_slice %convert_element_type3A {offsets = [2880, 0], sizes = [64, 256], strides = [1, 1]} : vector<4096x256xbf16> to vector<64x256xbf16>
    %transpose3A_804 = tpu.transpose %slice3A_803, [1, 0] : vector<64x256xbf16> -> vector<256x64xbf16>
    %dot_general3A_805 = arith.constant dense<0.000000e+00> : vector<64x64xf32>
    %dot_general3A_806 = tpu.matmul %slice3A_803, %transpose3A_804, %dot_general3A_805 {dimension_numbers = #tpu.dot_dimension_numbers<[1], [0], [0], [1], [0, 0, 1, 1], [], []>, transpose_lhs_hint = false} : vector<64x256xbf16>, vector<256x64xbf16>, vector<64x64xf32> -> vector<64x64xf32>
    %reduce_max3A_807 = arith.constant dense<0xFF800000> : vector<64xf32>
    %reduce_max3A_808 = vector.multi_reduction <maximumf>, %dot_general3A_806, %reduce_max3A_807 [1] : vector<64x64xf32> to vector<64xf32>
    %broadcast_in_dim3A_809 = vector.shape_cast %reduce_max3A_808 : vector<64xf32> to vector<64x1xf32>
    %sub3A_810 = vector.broadcast %broadcast_in_dim3A_809 : vector<64x1xf32> to vector<64x64xf32>
    %sub3A_811 = arith.subf %dot_general3A_806, %sub3A_810 : vector<64x64xf32>
    %exp3A_812 = math.exp %sub3A_811 : vector<64x64xf32>
    %reduce_sum3A_813 = arith.constant dense<0.000000e+00> : vector<64xf32>
    %reduce_sum3A_814 = vector.multi_reduction <add>, %exp3A_812, %reduce_sum3A_813 [1] : vector<64x64xf32> to vector<64xf32>
    %broadcast_in_dim3A_815 = vector.shape_cast %reduce_sum3A_814 : vector<64xf32> to vector<64x1xf32>
    %div3A_816 = vector.broadcast %broadcast_in_dim3A_815 : vector<64x1xf32> to vector<64x64xf32>
    %div3A_817 = arith.divf %exp3A_812, %div3A_816 : vector<64x64xf32>
    %convert_element_type3A_818 = arith.truncf %div3A_817 : vector<64x64xf32> to vector<64x64xbf16>
    %dot_general3A_819 = arith.constant dense<0.000000e+00> : vector<64x256xf32>
    %dot_general3A_820 = tpu.matmul %convert_element_type3A_818, %slice3A_803, %dot_general3A_819 {dimension_numbers = #tpu.dot_dimension_numbers<[1], [0], [0], [1], [0, 0, 1, 1], [], []>, transpose_lhs_hint = false} : vector<64x64xbf16>, vector<64x256xbf16>, vector<64x256xf32> -> vector<64x256xf32>
    %slice3A_821 = vector.extract_strided_slice %convert_element_type3A {offsets = [2944, 0], sizes = [64, 256], strides = [1, 1]} : vector<4096x256xbf16> to vector<64x256xbf16>
    %transpose3A_822 = tpu.transpose %slice3A_821, [1, 0] : vector<64x256xbf16> -> vector<256x64xbf16>
    %dot_general3A_823 = arith.constant dense<0.000000e+00> : vector<64x64xf32>
    %dot_general3A_824 = tpu.matmul %slice3A_821, %transpose3A_822, %dot_general3A_823 {dimension_numbers = #tpu.dot_dimension_numbers<[1], [0], [0], [1], [0, 0, 1, 1], [], []>, transpose_lhs_hint = false} : vector<64x256xbf16>, vector<256x64xbf16>, vector<64x64xf32> -> vector<64x64xf32>
    %reduce_max3A_825 = arith.constant dense<0xFF800000> : vector<64xf32>
    %reduce_max3A_826 = vector.multi_reduction <maximumf>, %dot_general3A_824, %reduce_max3A_825 [1] : vector<64x64xf32> to vector<64xf32>
    %broadcast_in_dim3A_827 = vector.shape_cast %reduce_max3A_826 : vector<64xf32> to vector<64x1xf32>
    %sub3A_828 = vector.broadcast %broadcast_in_dim3A_827 : vector<64x1xf32> to vector<64x64xf32>
    %sub3A_829 = arith.subf %dot_general3A_824, %sub3A_828 : vector<64x64xf32>
    %exp3A_830 = math.exp %sub3A_829 : vector<64x64xf32>
    %reduce_sum3A_831 = arith.constant dense<0.000000e+00> : vector<64xf32>
    %reduce_sum3A_832 = vector.multi_reduction <add>, %exp3A_830, %reduce_sum3A_831 [1] : vector<64x64xf32> to vector<64xf32>
    %broadcast_in_dim3A_833 = vector.shape_cast %reduce_sum3A_832 : vector<64xf32> to vector<64x1xf32>
    %div3A_834 = vector.broadcast %broadcast_in_dim3A_833 : vector<64x1xf32> to vector<64x64xf32>
    %div3A_835 = arith.divf %exp3A_830, %div3A_834 : vector<64x64xf32>
    %convert_element_type3A_836 = arith.truncf %div3A_835 : vector<64x64xf32> to vector<64x64xbf16>
    %dot_general3A_837 = arith.constant dense<0.000000e+00> : vector<64x256xf32>
    %dot_general3A_838 = tpu.matmul %convert_element_type3A_836, %slice3A_821, %dot_general3A_837 {dimension_numbers = #tpu.dot_dimension_numbers<[1], [0], [0], [1], [0, 0, 1, 1], [], []>, transpose_lhs_hint = false} : vector<64x64xbf16>, vector<64x256xbf16>, vector<64x256xf32> -> vector<64x256xf32>
    %slice3A_839 = vector.extract_strided_slice %convert_element_type3A {offsets = [3008, 0], sizes = [64, 256], strides = [1, 1]} : vector<4096x256xbf16> to vector<64x256xbf16>
    %transpose3A_840 = tpu.transpose %slice3A_839, [1, 0] : vector<64x256xbf16> -> vector<256x64xbf16>
    %dot_general3A_841 = arith.constant dense<0.000000e+00> : vector<64x64xf32>
    %dot_general3A_842 = tpu.matmul %slice3A_839, %transpose3A_840, %dot_general3A_841 {dimension_numbers = #tpu.dot_dimension_numbers<[1], [0], [0], [1], [0, 0, 1, 1], [], []>, transpose_lhs_hint = false} : vector<64x256xbf16>, vector<256x64xbf16>, vector<64x64xf32> -> vector<64x64xf32>
    %reduce_max3A_843 = arith.constant dense<0xFF800000> : vector<64xf32>
    %reduce_max3A_844 = vector.multi_reduction <maximumf>, %dot_general3A_842, %reduce_max3A_843 [1] : vector<64x64xf32> to vector<64xf32>
    %broadcast_in_dim3A_845 = vector.shape_cast %reduce_max3A_844 : vector<64xf32> to vector<64x1xf32>
    %sub3A_846 = vector.broadcast %broadcast_in_dim3A_845 : vector<64x1xf32> to vector<64x64xf32>
    %sub3A_847 = arith.subf %dot_general3A_842, %sub3A_846 : vector<64x64xf32>
    %exp3A_848 = math.exp %sub3A_847 : vector<64x64xf32>
    %reduce_sum3A_849 = arith.constant dense<0.000000e+00> : vector<64xf32>
    %reduce_sum3A_850 = vector.multi_reduction <add>, %exp3A_848, %reduce_sum3A_849 [1] : vector<64x64xf32> to vector<64xf32>
    %broadcast_in_dim3A_851 = vector.shape_cast %reduce_sum3A_850 : vector<64xf32> to vector<64x1xf32>
    %div3A_852 = vector.broadcast %broadcast_in_dim3A_851 : vector<64x1xf32> to vector<64x64xf32>
    %div3A_853 = arith.divf %exp3A_848, %div3A_852 : vector<64x64xf32>
    %convert_element_type3A_854 = arith.truncf %div3A_853 : vector<64x64xf32> to vector<64x64xbf16>
    %dot_general3A_855 = arith.constant dense<0.000000e+00> : vector<64x256xf32>
    %dot_general3A_856 = tpu.matmul %convert_element_type3A_854, %slice3A_839, %dot_general3A_855 {dimension_numbers = #tpu.dot_dimension_numbers<[1], [0], [0], [1], [0, 0, 1, 1], [], []>, transpose_lhs_hint = false} : vector<64x64xbf16>, vector<64x256xbf16>, vector<64x256xf32> -> vector<64x256xf32>
    %slice3A_857 = vector.extract_strided_slice %convert_element_type3A {offsets = [3072, 0], sizes = [64, 256], strides = [1, 1]} : vector<4096x256xbf16> to vector<64x256xbf16>
    %transpose3A_858 = tpu.transpose %slice3A_857, [1, 0] : vector<64x256xbf16> -> vector<256x64xbf16>
    %dot_general3A_859 = arith.constant dense<0.000000e+00> : vector<64x64xf32>
    %dot_general3A_860 = tpu.matmul %slice3A_857, %transpose3A_858, %dot_general3A_859 {dimension_numbers = #tpu.dot_dimension_numbers<[1], [0], [0], [1], [0, 0, 1, 1], [], []>, transpose_lhs_hint = false} : vector<64x256xbf16>, vector<256x64xbf16>, vector<64x64xf32> -> vector<64x64xf32>
    %reduce_max3A_861 = arith.constant dense<0xFF800000> : vector<64xf32>
    %reduce_max3A_862 = vector.multi_reduction <maximumf>, %dot_general3A_860, %reduce_max3A_861 [1] : vector<64x64xf32> to vector<64xf32>
    %broadcast_in_dim3A_863 = vector.shape_cast %reduce_max3A_862 : vector<64xf32> to vector<64x1xf32>
    %sub3A_864 = vector.broadcast %broadcast_in_dim3A_863 : vector<64x1xf32> to vector<64x64xf32>
    %sub3A_865 = arith.subf %dot_general3A_860, %sub3A_864 : vector<64x64xf32>
    %exp3A_866 = math.exp %sub3A_865 : vector<64x64xf32>
    %reduce_sum3A_867 = arith.constant dense<0.000000e+00> : vector<64xf32>
    %reduce_sum3A_868 = vector.multi_reduction <add>, %exp3A_866, %reduce_sum3A_867 [1] : vector<64x64xf32> to vector<64xf32>
    %broadcast_in_dim3A_869 = vector.shape_cast %reduce_sum3A_868 : vector<64xf32> to vector<64x1xf32>
    %div3A_870 = vector.broadcast %broadcast_in_dim3A_869 : vector<64x1xf32> to vector<64x64xf32>
    %div3A_871 = arith.divf %exp3A_866, %div3A_870 : vector<64x64xf32>
    %convert_element_type3A_872 = arith.truncf %div3A_871 : vector<64x64xf32> to vector<64x64xbf16>
    %dot_general3A_873 = arith.constant dense<0.000000e+00> : vector<64x256xf32>
    %dot_general3A_874 = tpu.matmul %convert_element_type3A_872, %slice3A_857, %dot_general3A_873 {dimension_numbers = #tpu.dot_dimension_numbers<[1], [0], [0], [1], [0, 0, 1, 1], [], []>, transpose_lhs_hint = false} : vector<64x64xbf16>, vector<64x256xbf16>, vector<64x256xf32> -> vector<64x256xf32>
    %slice3A_875 = vector.extract_strided_slice %convert_element_type3A {offsets = [3136, 0], sizes = [64, 256], strides = [1, 1]} : vector<4096x256xbf16> to vector<64x256xbf16>
    %transpose3A_876 = tpu.transpose %slice3A_875, [1, 0] : vector<64x256xbf16> -> vector<256x64xbf16>
    %dot_general3A_877 = arith.constant dense<0.000000e+00> : vector<64x64xf32>
    %dot_general3A_878 = tpu.matmul %slice3A_875, %transpose3A_876, %dot_general3A_877 {dimension_numbers = #tpu.dot_dimension_numbers<[1], [0], [0], [1], [0, 0, 1, 1], [], []>, transpose_lhs_hint = false} : vector<64x256xbf16>, vector<256x64xbf16>, vector<64x64xf32> -> vector<64x64xf32>
    %reduce_max3A_879 = arith.constant dense<0xFF800000> : vector<64xf32>
    %reduce_max3A_880 = vector.multi_reduction <maximumf>, %dot_general3A_878, %reduce_max3A_879 [1] : vector<64x64xf32> to vector<64xf32>
    %broadcast_in_dim3A_881 = vector.shape_cast %reduce_max3A_880 : vector<64xf32> to vector<64x1xf32>
    %sub3A_882 = vector.broadcast %broadcast_in_dim3A_881 : vector<64x1xf32> to vector<64x64xf32>
    %sub3A_883 = arith.subf %dot_general3A_878, %sub3A_882 : vector<64x64xf32>
    %exp3A_884 = math.exp %sub3A_883 : vector<64x64xf32>
    %reduce_sum3A_885 = arith.constant dense<0.000000e+00> : vector<64xf32>
    %reduce_sum3A_886 = vector.multi_reduction <add>, %exp3A_884, %reduce_sum3A_885 [1] : vector<64x64xf32> to vector<64xf32>
    %broadcast_in_dim3A_887 = vector.shape_cast %reduce_sum3A_886 : vector<64xf32> to vector<64x1xf32>
    %div3A_888 = vector.broadcast %broadcast_in_dim3A_887 : vector<64x1xf32> to vector<64x64xf32>
    %div3A_889 = arith.divf %exp3A_884, %div3A_888 : vector<64x64xf32>
    %convert_element_type3A_890 = arith.truncf %div3A_889 : vector<64x64xf32> to vector<64x64xbf16>
    %dot_general3A_891 = arith.constant dense<0.000000e+00> : vector<64x256xf32>
    %dot_general3A_892 = tpu.matmul %convert_element_type3A_890, %slice3A_875, %dot_general3A_891 {dimension_numbers = #tpu.dot_dimension_numbers<[1], [0], [0], [1], [0, 0, 1, 1], [], []>, transpose_lhs_hint = false} : vector<64x64xbf16>, vector<64x256xbf16>, vector<64x256xf32> -> vector<64x256xf32>
    %slice3A_893 = vector.extract_strided_slice %convert_element_type3A {offsets = [3200, 0], sizes = [64, 256], strides = [1, 1]} : vector<4096x256xbf16> to vector<64x256xbf16>
    %transpose3A_894 = tpu.transpose %slice3A_893, [1, 0] : vector<64x256xbf16> -> vector<256x64xbf16>
    %dot_general3A_895 = arith.constant dense<0.000000e+00> : vector<64x64xf32>
    %dot_general3A_896 = tpu.matmul %slice3A_893, %transpose3A_894, %dot_general3A_895 {dimension_numbers = #tpu.dot_dimension_numbers<[1], [0], [0], [1], [0, 0, 1, 1], [], []>, transpose_lhs_hint = false} : vector<64x256xbf16>, vector<256x64xbf16>, vector<64x64xf32> -> vector<64x64xf32>
    %reduce_max3A_897 = arith.constant dense<0xFF800000> : vector<64xf32>
    %reduce_max3A_898 = vector.multi_reduction <maximumf>, %dot_general3A_896, %reduce_max3A_897 [1] : vector<64x64xf32> to vector<64xf32>
    %broadcast_in_dim3A_899 = vector.shape_cast %reduce_max3A_898 : vector<64xf32> to vector<64x1xf32>
    %sub3A_900 = vector.broadcast %broadcast_in_dim3A_899 : vector<64x1xf32> to vector<64x64xf32>
    %sub3A_901 = arith.subf %dot_general3A_896, %sub3A_900 : vector<64x64xf32>
    %exp3A_902 = math.exp %sub3A_901 : vector<64x64xf32>
    %reduce_sum3A_903 = arith.constant dense<0.000000e+00> : vector<64xf32>
    %reduce_sum3A_904 = vector.multi_reduction <add>, %exp3A_902, %reduce_sum3A_903 [1] : vector<64x64xf32> to vector<64xf32>
    %broadcast_in_dim3A_905 = vector.shape_cast %reduce_sum3A_904 : vector<64xf32> to vector<64x1xf32>
    %div3A_906 = vector.broadcast %broadcast_in_dim3A_905 : vector<64x1xf32> to vector<64x64xf32>
    %div3A_907 = arith.divf %exp3A_902, %div3A_906 : vector<64x64xf32>
    %convert_element_type3A_908 = arith.truncf %div3A_907 : vector<64x64xf32> to vector<64x64xbf16>
    %dot_general3A_909 = arith.constant dense<0.000000e+00> : vector<64x256xf32>
    %dot_general3A_910 = tpu.matmul %convert_element_type3A_908, %slice3A_893, %dot_general3A_909 {dimension_numbers = #tpu.dot_dimension_numbers<[1], [0], [0], [1], [0, 0, 1, 1], [], []>, transpose_lhs_hint = false} : vector<64x64xbf16>, vector<64x256xbf16>, vector<64x256xf32> -> vector<64x256xf32>
    %slice3A_911 = vector.extract_strided_slice %convert_element_type3A {offsets = [3264, 0], sizes = [64, 256], strides = [1, 1]} : vector<4096x256xbf16> to vector<64x256xbf16>
    %transpose3A_912 = tpu.transpose %slice3A_911, [1, 0] : vector<64x256xbf16> -> vector<256x64xbf16>
    %dot_general3A_913 = arith.constant dense<0.000000e+00> : vector<64x64xf32>
    %dot_general3A_914 = tpu.matmul %slice3A_911, %transpose3A_912, %dot_general3A_913 {dimension_numbers = #tpu.dot_dimension_numbers<[1], [0], [0], [1], [0, 0, 1, 1], [], []>, transpose_lhs_hint = false} : vector<64x256xbf16>, vector<256x64xbf16>, vector<64x64xf32> -> vector<64x64xf32>
    %reduce_max3A_915 = arith.constant dense<0xFF800000> : vector<64xf32>
    %reduce_max3A_916 = vector.multi_reduction <maximumf>, %dot_general3A_914, %reduce_max3A_915 [1] : vector<64x64xf32> to vector<64xf32>
    %broadcast_in_dim3A_917 = vector.shape_cast %reduce_max3A_916 : vector<64xf32> to vector<64x1xf32>
    %sub3A_918 = vector.broadcast %broadcast_in_dim3A_917 : vector<64x1xf32> to vector<64x64xf32>
    %sub3A_919 = arith.subf %dot_general3A_914, %sub3A_918 : vector<64x64xf32>
    %exp3A_920 = math.exp %sub3A_919 : vector<64x64xf32>
    %reduce_sum3A_921 = arith.constant dense<0.000000e+00> : vector<64xf32>
    %reduce_sum3A_922 = vector.multi_reduction <add>, %exp3A_920, %reduce_sum3A_921 [1] : vector<64x64xf32> to vector<64xf32>
    %broadcast_in_dim3A_923 = vector.shape_cast %reduce_sum3A_922 : vector<64xf32> to vector<64x1xf32>
    %div3A_924 = vector.broadcast %broadcast_in_dim3A_923 : vector<64x1xf32> to vector<64x64xf32>
    %div3A_925 = arith.divf %exp3A_920, %div3A_924 : vector<64x64xf32>
    %convert_element_type3A_926 = arith.truncf %div3A_925 : vector<64x64xf32> to vector<64x64xbf16>
    %dot_general3A_927 = arith.constant dense<0.000000e+00> : vector<64x256xf32>
    %dot_general3A_928 = tpu.matmul %convert_element_type3A_926, %slice3A_911, %dot_general3A_927 {dimension_numbers = #tpu.dot_dimension_numbers<[1], [0], [0], [1], [0, 0, 1, 1], [], []>, transpose_lhs_hint = false} : vector<64x64xbf16>, vector<64x256xbf16>, vector<64x256xf32> -> vector<64x256xf32>
    %slice3A_929 = vector.extract_strided_slice %convert_element_type3A {offsets = [3328, 0], sizes = [64, 256], strides = [1, 1]} : vector<4096x256xbf16> to vector<64x256xbf16>
    %transpose3A_930 = tpu.transpose %slice3A_929, [1, 0] : vector<64x256xbf16> -> vector<256x64xbf16>
    %dot_general3A_931 = arith.constant dense<0.000000e+00> : vector<64x64xf32>
    %dot_general3A_932 = tpu.matmul %slice3A_929, %transpose3A_930, %dot_general3A_931 {dimension_numbers = #tpu.dot_dimension_numbers<[1], [0], [0], [1], [0, 0, 1, 1], [], []>, transpose_lhs_hint = false} : vector<64x256xbf16>, vector<256x64xbf16>, vector<64x64xf32> -> vector<64x64xf32>
    %reduce_max3A_933 = arith.constant dense<0xFF800000> : vector<64xf32>
    %reduce_max3A_934 = vector.multi_reduction <maximumf>, %dot_general3A_932, %reduce_max3A_933 [1] : vector<64x64xf32> to vector<64xf32>
    %broadcast_in_dim3A_935 = vector.shape_cast %reduce_max3A_934 : vector<64xf32> to vector<64x1xf32>
    %sub3A_936 = vector.broadcast %broadcast_in_dim3A_935 : vector<64x1xf32> to vector<64x64xf32>
    %sub3A_937 = arith.subf %dot_general3A_932, %sub3A_936 : vector<64x64xf32>
    %exp3A_938 = math.exp %sub3A_937 : vector<64x64xf32>
    %reduce_sum3A_939 = arith.constant dense<0.000000e+00> : vector<64xf32>
    %reduce_sum3A_940 = vector.multi_reduction <add>, %exp3A_938, %reduce_sum3A_939 [1] : vector<64x64xf32> to vector<64xf32>
    %broadcast_in_dim3A_941 = vector.shape_cast %reduce_sum3A_940 : vector<64xf32> to vector<64x1xf32>
    %div3A_942 = vector.broadcast %broadcast_in_dim3A_941 : vector<64x1xf32> to vector<64x64xf32>
    %div3A_943 = arith.divf %exp3A_938, %div3A_942 : vector<64x64xf32>
    %convert_element_type3A_944 = arith.truncf %div3A_943 : vector<64x64xf32> to vector<64x64xbf16>
    %dot_general3A_945 = arith.constant dense<0.000000e+00> : vector<64x256xf32>
    %dot_general3A_946 = tpu.matmul %convert_element_type3A_944, %slice3A_929, %dot_general3A_945 {dimension_numbers = #tpu.dot_dimension_numbers<[1], [0], [0], [1], [0, 0, 1, 1], [], []>, transpose_lhs_hint = false} : vector<64x64xbf16>, vector<64x256xbf16>, vector<64x256xf32> -> vector<64x256xf32>
    %slice3A_947 = vector.extract_strided_slice %convert_element_type3A {offsets = [3392, 0], sizes = [64, 256], strides = [1, 1]} : vector<4096x256xbf16> to vector<64x256xbf16>
    %transpose3A_948 = tpu.transpose %slice3A_947, [1, 0] : vector<64x256xbf16> -> vector<256x64xbf16>
    %dot_general3A_949 = arith.constant dense<0.000000e+00> : vector<64x64xf32>
    %dot_general3A_950 = tpu.matmul %slice3A_947, %transpose3A_948, %dot_general3A_949 {dimension_numbers = #tpu.dot_dimension_numbers<[1], [0], [0], [1], [0, 0, 1, 1], [], []>, transpose_lhs_hint = false} : vector<64x256xbf16>, vector<256x64xbf16>, vector<64x64xf32> -> vector<64x64xf32>
    %reduce_max3A_951 = arith.constant dense<0xFF800000> : vector<64xf32>
    %reduce_max3A_952 = vector.multi_reduction <maximumf>, %dot_general3A_950, %reduce_max3A_951 [1] : vector<64x64xf32> to vector<64xf32>
    %broadcast_in_dim3A_953 = vector.shape_cast %reduce_max3A_952 : vector<64xf32> to vector<64x1xf32>
    %sub3A_954 = vector.broadcast %broadcast_in_dim3A_953 : vector<64x1xf32> to vector<64x64xf32>
    %sub3A_955 = arith.subf %dot_general3A_950, %sub3A_954 : vector<64x64xf32>
    %exp3A_956 = math.exp %sub3A_955 : vector<64x64xf32>
    %reduce_sum3A_957 = arith.constant dense<0.000000e+00> : vector<64xf32>
    %reduce_sum3A_958 = vector.multi_reduction <add>, %exp3A_956, %reduce_sum3A_957 [1] : vector<64x64xf32> to vector<64xf32>
    %broadcast_in_dim3A_959 = vector.shape_cast %reduce_sum3A_958 : vector<64xf32> to vector<64x1xf32>
    %div3A_960 = vector.broadcast %broadcast_in_dim3A_959 : vector<64x1xf32> to vector<64x64xf32>
    %div3A_961 = arith.divf %exp3A_956, %div3A_960 : vector<64x64xf32>
    %convert_element_type3A_962 = arith.truncf %div3A_961 : vector<64x64xf32> to vector<64x64xbf16>
    %dot_general3A_963 = arith.constant dense<0.000000e+00> : vector<64x256xf32>
    %dot_general3A_964 = tpu.matmul %convert_element_type3A_962, %slice3A_947, %dot_general3A_963 {dimension_numbers = #tpu.dot_dimension_numbers<[1], [0], [0], [1], [0, 0, 1, 1], [], []>, transpose_lhs_hint = false} : vector<64x64xbf16>, vector<64x256xbf16>, vector<64x256xf32> -> vector<64x256xf32>
    %slice3A_965 = vector.extract_strided_slice %convert_element_type3A {offsets = [3456, 0], sizes = [64, 256], strides = [1, 1]} : vector<4096x256xbf16> to vector<64x256xbf16>
    %transpose3A_966 = tpu.transpose %slice3A_965, [1, 0] : vector<64x256xbf16> -> vector<256x64xbf16>
    %dot_general3A_967 = arith.constant dense<0.000000e+00> : vector<64x64xf32>
    %dot_general3A_968 = tpu.matmul %slice3A_965, %transpose3A_966, %dot_general3A_967 {dimension_numbers = #tpu.dot_dimension_numbers<[1], [0], [0], [1], [0, 0, 1, 1], [], []>, transpose_lhs_hint = false} : vector<64x256xbf16>, vector<256x64xbf16>, vector<64x64xf32> -> vector<64x64xf32>
    %reduce_max3A_969 = arith.constant dense<0xFF800000> : vector<64xf32>
    %reduce_max3A_970 = vector.multi_reduction <maximumf>, %dot_general3A_968, %reduce_max3A_969 [1] : vector<64x64xf32> to vector<64xf32>
    %broadcast_in_dim3A_971 = vector.shape_cast %reduce_max3A_970 : vector<64xf32> to vector<64x1xf32>
    %sub3A_972 = vector.broadcast %broadcast_in_dim3A_971 : vector<64x1xf32> to vector<64x64xf32>
    %sub3A_973 = arith.subf %dot_general3A_968, %sub3A_972 : vector<64x64xf32>
    %exp3A_974 = math.exp %sub3A_973 : vector<64x64xf32>
    %reduce_sum3A_975 = arith.constant dense<0.000000e+00> : vector<64xf32>
    %reduce_sum3A_976 = vector.multi_reduction <add>, %exp3A_974, %reduce_sum3A_975 [1] : vector<64x64xf32> to vector<64xf32>
    %broadcast_in_dim3A_977 = vector.shape_cast %reduce_sum3A_976 : vector<64xf32> to vector<64x1xf32>
    %div3A_978 = vector.broadcast %broadcast_in_dim3A_977 : vector<64x1xf32> to vector<64x64xf32>
    %div3A_979 = arith.divf %exp3A_974, %div3A_978 : vector<64x64xf32>
    %convert_element_type3A_980 = arith.truncf %div3A_979 : vector<64x64xf32> to vector<64x64xbf16>
    %dot_general3A_981 = arith.constant dense<0.000000e+00> : vector<64x256xf32>
    %dot_general3A_982 = tpu.matmul %convert_element_type3A_980, %slice3A_965, %dot_general3A_981 {dimension_numbers = #tpu.dot_dimension_numbers<[1], [0], [0], [1], [0, 0, 1, 1], [], []>, transpose_lhs_hint = false} : vector<64x64xbf16>, vector<64x256xbf16>, vector<64x256xf32> -> vector<64x256xf32>
    %slice3A_983 = vector.extract_strided_slice %convert_element_type3A {offsets = [3520, 0], sizes = [64, 256], strides = [1, 1]} : vector<4096x256xbf16> to vector<64x256xbf16>
    %transpose3A_984 = tpu.transpose %slice3A_983, [1, 0] : vector<64x256xbf16> -> vector<256x64xbf16>
    %dot_general3A_985 = arith.constant dense<0.000000e+00> : vector<64x64xf32>
    %dot_general3A_986 = tpu.matmul %slice3A_983, %transpose3A_984, %dot_general3A_985 {dimension_numbers = #tpu.dot_dimension_numbers<[1], [0], [0], [1], [0, 0, 1, 1], [], []>, transpose_lhs_hint = false} : vector<64x256xbf16>, vector<256x64xbf16>, vector<64x64xf32> -> vector<64x64xf32>
    %reduce_max3A_987 = arith.constant dense<0xFF800000> : vector<64xf32>
    %reduce_max3A_988 = vector.multi_reduction <maximumf>, %dot_general3A_986, %reduce_max3A_987 [1] : vector<64x64xf32> to vector<64xf32>
    %broadcast_in_dim3A_989 = vector.shape_cast %reduce_max3A_988 : vector<64xf32> to vector<64x1xf32>
    %sub3A_990 = vector.broadcast %broadcast_in_dim3A_989 : vector<64x1xf32> to vector<64x64xf32>
    %sub3A_991 = arith.subf %dot_general3A_986, %sub3A_990 : vector<64x64xf32>
    %exp3A_992 = math.exp %sub3A_991 : vector<64x64xf32>
    %reduce_sum3A_993 = arith.constant dense<0.000000e+00> : vector<64xf32>
    %reduce_sum3A_994 = vector.multi_reduction <add>, %exp3A_992, %reduce_sum3A_993 [1] : vector<64x64xf32> to vector<64xf32>
    %broadcast_in_dim3A_995 = vector.shape_cast %reduce_sum3A_994 : vector<64xf32> to vector<64x1xf32>
    %div3A_996 = vector.broadcast %broadcast_in_dim3A_995 : vector<64x1xf32> to vector<64x64xf32>
    %div3A_997 = arith.divf %exp3A_992, %div3A_996 : vector<64x64xf32>
    %convert_element_type3A_998 = arith.truncf %div3A_997 : vector<64x64xf32> to vector<64x64xbf16>
    %dot_general3A_999 = arith.constant dense<0.000000e+00> : vector<64x256xf32>
    %dot_general3A_1000 = tpu.matmul %convert_element_type3A_998, %slice3A_983, %dot_general3A_999 {dimension_numbers = #tpu.dot_dimension_numbers<[1], [0], [0], [1], [0, 0, 1, 1], [], []>, transpose_lhs_hint = false} : vector<64x64xbf16>, vector<64x256xbf16>, vector<64x256xf32> -> vector<64x256xf32>
    %slice3A_1001 = vector.extract_strided_slice %convert_element_type3A {offsets = [3584, 0], sizes = [64, 256], strides = [1, 1]} : vector<4096x256xbf16> to vector<64x256xbf16>
    %transpose3A_1002 = tpu.transpose %slice3A_1001, [1, 0] : vector<64x256xbf16> -> vector<256x64xbf16>
    %dot_general3A_1003 = arith.constant dense<0.000000e+00> : vector<64x64xf32>
    %dot_general3A_1004 = tpu.matmul %slice3A_1001, %transpose3A_1002, %dot_general3A_1003 {dimension_numbers = #tpu.dot_dimension_numbers<[1], [0], [0], [1], [0, 0, 1, 1], [], []>, transpose_lhs_hint = false} : vector<64x256xbf16>, vector<256x64xbf16>, vector<64x64xf32> -> vector<64x64xf32>
    %reduce_max3A_1005 = arith.constant dense<0xFF800000> : vector<64xf32>
    %reduce_max3A_1006 = vector.multi_reduction <maximumf>, %dot_general3A_1004, %reduce_max3A_1005 [1] : vector<64x64xf32> to vector<64xf32>
    %broadcast_in_dim3A_1007 = vector.shape_cast %reduce_max3A_1006 : vector<64xf32> to vector<64x1xf32>
    %sub3A_1008 = vector.broadcast %broadcast_in_dim3A_1007 : vector<64x1xf32> to vector<64x64xf32>
    %sub3A_1009 = arith.subf %dot_general3A_1004, %sub3A_1008 : vector<64x64xf32>
    %exp3A_1010 = math.exp %sub3A_1009 : vector<64x64xf32>
    %reduce_sum3A_1011 = arith.constant dense<0.000000e+00> : vector<64xf32>
    %reduce_sum3A_1012 = vector.multi_reduction <add>, %exp3A_1010, %reduce_sum3A_1011 [1] : vector<64x64xf32> to vector<64xf32>
    %broadcast_in_dim3A_1013 = vector.shape_cast %reduce_sum3A_1012 : vector<64xf32> to vector<64x1xf32>
    %div3A_1014 = vector.broadcast %broadcast_in_dim3A_1013 : vector<64x1xf32> to vector<64x64xf32>
    %div3A_1015 = arith.divf %exp3A_1010, %div3A_1014 : vector<64x64xf32>
    %convert_element_type3A_1016 = arith.truncf %div3A_1015 : vector<64x64xf32> to vector<64x64xbf16>
    %dot_general3A_1017 = arith.constant dense<0.000000e+00> : vector<64x256xf32>
    %dot_general3A_1018 = tpu.matmul %convert_element_type3A_1016, %slice3A_1001, %dot_general3A_1017 {dimension_numbers = #tpu.dot_dimension_numbers<[1], [0], [0], [1], [0, 0, 1, 1], [], []>, transpose_lhs_hint = false} : vector<64x64xbf16>, vector<64x256xbf16>, vector<64x256xf32> -> vector<64x256xf32>
    %slice3A_1019 = vector.extract_strided_slice %convert_element_type3A {offsets = [3648, 0], sizes = [64, 256], strides = [1, 1]} : vector<4096x256xbf16> to vector<64x256xbf16>
    %transpose3A_1020 = tpu.transpose %slice3A_1019, [1, 0] : vector<64x256xbf16> -> vector<256x64xbf16>
    %dot_general3A_1021 = arith.constant dense<0.000000e+00> : vector<64x64xf32>
    %dot_general3A_1022 = tpu.matmul %slice3A_1019, %transpose3A_1020, %dot_general3A_1021 {dimension_numbers = #tpu.dot_dimension_numbers<[1], [0], [0], [1], [0, 0, 1, 1], [], []>, transpose_lhs_hint = false} : vector<64x256xbf16>, vector<256x64xbf16>, vector<64x64xf32> -> vector<64x64xf32>
    %reduce_max3A_1023 = arith.constant dense<0xFF800000> : vector<64xf32>
    %reduce_max3A_1024 = vector.multi_reduction <maximumf>, %dot_general3A_1022, %reduce_max3A_1023 [1] : vector<64x64xf32> to vector<64xf32>
    %broadcast_in_dim3A_1025 = vector.shape_cast %reduce_max3A_1024 : vector<64xf32> to vector<64x1xf32>
    %sub3A_1026 = vector.broadcast %broadcast_in_dim3A_1025 : vector<64x1xf32> to vector<64x64xf32>
    %sub3A_1027 = arith.subf %dot_general3A_1022, %sub3A_1026 : vector<64x64xf32>
    %exp3A_1028 = math.exp %sub3A_1027 : vector<64x64xf32>
    %reduce_sum3A_1029 = arith.constant dense<0.000000e+00> : vector<64xf32>
    %reduce_sum3A_1030 = vector.multi_reduction <add>, %exp3A_1028, %reduce_sum3A_1029 [1] : vector<64x64xf32> to vector<64xf32>
    %broadcast_in_dim3A_1031 = vector.shape_cast %reduce_sum3A_1030 : vector<64xf32> to vector<64x1xf32>
    %div3A_1032 = vector.broadcast %broadcast_in_dim3A_1031 : vector<64x1xf32> to vector<64x64xf32>
    %div3A_1033 = arith.divf %exp3A_1028, %div3A_1032 : vector<64x64xf32>
    %convert_element_type3A_1034 = arith.truncf %div3A_1033 : vector<64x64xf32> to vector<64x64xbf16>
    %dot_general3A_1035 = arith.constant dense<0.000000e+00> : vector<64x256xf32>
    %dot_general3A_1036 = tpu.matmul %convert_element_type3A_1034, %slice3A_1019, %dot_general3A_1035 {dimension_numbers = #tpu.dot_dimension_numbers<[1], [0], [0], [1], [0, 0, 1, 1], [], []>, transpose_lhs_hint = false} : vector<64x64xbf16>, vector<64x256xbf16>, vector<64x256xf32> -> vector<64x256xf32>
    %slice3A_1037 = vector.extract_strided_slice %convert_element_type3A {offsets = [3712, 0], sizes = [64, 256], strides = [1, 1]} : vector<4096x256xbf16> to vector<64x256xbf16>
    %transpose3A_1038 = tpu.transpose %slice3A_1037, [1, 0] : vector<64x256xbf16> -> vector<256x64xbf16>
    %dot_general3A_1039 = arith.constant dense<0.000000e+00> : vector<64x64xf32>
    %dot_general3A_1040 = tpu.matmul %slice3A_1037, %transpose3A_1038, %dot_general3A_1039 {dimension_numbers = #tpu.dot_dimension_numbers<[1], [0], [0], [1], [0, 0, 1, 1], [], []>, transpose_lhs_hint = false} : vector<64x256xbf16>, vector<256x64xbf16>, vector<64x64xf32> -> vector<64x64xf32>
    %reduce_max3A_1041 = arith.constant dense<0xFF800000> : vector<64xf32>
    %reduce_max3A_1042 = vector.multi_reduction <maximumf>, %dot_general3A_1040, %reduce_max3A_1041 [1] : vector<64x64xf32> to vector<64xf32>
    %broadcast_in_dim3A_1043 = vector.shape_cast %reduce_max3A_1042 : vector<64xf32> to vector<64x1xf32>
    %sub3A_1044 = vector.broadcast %broadcast_in_dim3A_1043 : vector<64x1xf32> to vector<64x64xf32>
    %sub3A_1045 = arith.subf %dot_general3A_1040, %sub3A_1044 : vector<64x64xf32>
    %exp3A_1046 = math.exp %sub3A_1045 : vector<64x64xf32>
    %reduce_sum3A_1047 = arith.constant dense<0.000000e+00> : vector<64xf32>
    %reduce_sum3A_1048 = vector.multi_reduction <add>, %exp3A_1046, %reduce_sum3A_1047 [1] : vector<64x64xf32> to vector<64xf32>
    %broadcast_in_dim3A_1049 = vector.shape_cast %reduce_sum3A_1048 : vector<64xf32> to vector<64x1xf32>
    %div3A_1050 = vector.broadcast %broadcast_in_dim3A_1049 : vector<64x1xf32> to vector<64x64xf32>
    %div3A_1051 = arith.divf %exp3A_1046, %div3A_1050 : vector<64x64xf32>
    %convert_element_type3A_1052 = arith.truncf %div3A_1051 : vector<64x64xf32> to vector<64x64xbf16>
    %dot_general3A_1053 = arith.constant dense<0.000000e+00> : vector<64x256xf32>
    %dot_general3A_1054 = tpu.matmul %convert_element_type3A_1052, %slice3A_1037, %dot_general3A_1053 {dimension_numbers = #tpu.dot_dimension_numbers<[1], [0], [0], [1], [0, 0, 1, 1], [], []>, transpose_lhs_hint = false} : vector<64x64xbf16>, vector<64x256xbf16>, vector<64x256xf32> -> vector<64x256xf32>
    %slice3A_1055 = vector.extract_strided_slice %convert_element_type3A {offsets = [3776, 0], sizes = [64, 256], strides = [1, 1]} : vector<4096x256xbf16> to vector<64x256xbf16>
    %transpose3A_1056 = tpu.transpose %slice3A_1055, [1, 0] : vector<64x256xbf16> -> vector<256x64xbf16>
    %dot_general3A_1057 = arith.constant dense<0.000000e+00> : vector<64x64xf32>
    %dot_general3A_1058 = tpu.matmul %slice3A_1055, %transpose3A_1056, %dot_general3A_1057 {dimension_numbers = #tpu.dot_dimension_numbers<[1], [0], [0], [1], [0, 0, 1, 1], [], []>, transpose_lhs_hint = false} : vector<64x256xbf16>, vector<256x64xbf16>, vector<64x64xf32> -> vector<64x64xf32>
    %reduce_max3A_1059 = arith.constant dense<0xFF800000> : vector<64xf32>
    %reduce_max3A_1060 = vector.multi_reduction <maximumf>, %dot_general3A_1058, %reduce_max3A_1059 [1] : vector<64x64xf32> to vector<64xf32>
    %broadcast_in_dim3A_1061 = vector.shape_cast %reduce_max3A_1060 : vector<64xf32> to vector<64x1xf32>
    %sub3A_1062 = vector.broadcast %broadcast_in_dim3A_1061 : vector<64x1xf32> to vector<64x64xf32>
    %sub3A_1063 = arith.subf %dot_general3A_1058, %sub3A_1062 : vector<64x64xf32>
    %exp3A_1064 = math.exp %sub3A_1063 : vector<64x64xf32>
    %reduce_sum3A_1065 = arith.constant dense<0.000000e+00> : vector<64xf32>
    %reduce_sum3A_1066 = vector.multi_reduction <add>, %exp3A_1064, %reduce_sum3A_1065 [1] : vector<64x64xf32> to vector<64xf32>
    %broadcast_in_dim3A_1067 = vector.shape_cast %reduce_sum3A_1066 : vector<64xf32> to vector<64x1xf32>
    %div3A_1068 = vector.broadcast %broadcast_in_dim3A_1067 : vector<64x1xf32> to vector<64x64xf32>
    %div3A_1069 = arith.divf %exp3A_1064, %div3A_1068 : vector<64x64xf32>
    %convert_element_type3A_1070 = arith.truncf %div3A_1069 : vector<64x64xf32> to vector<64x64xbf16>
    %dot_general3A_1071 = arith.constant dense<0.000000e+00> : vector<64x256xf32>
    %dot_general3A_1072 = tpu.matmul %convert_element_type3A_1070, %slice3A_1055, %dot_general3A_1071 {dimension_numbers = #tpu.dot_dimension_numbers<[1], [0], [0], [1], [0, 0, 1, 1], [], []>, transpose_lhs_hint = false} : vector<64x64xbf16>, vector<64x256xbf16>, vector<64x256xf32> -> vector<64x256xf32>
    %slice3A_1073 = vector.extract_strided_slice %convert_element_type3A {offsets = [3840, 0], sizes = [64, 256], strides = [1, 1]} : vector<4096x256xbf16> to vector<64x256xbf16>
    %transpose3A_1074 = tpu.transpose %slice3A_1073, [1, 0] : vector<64x256xbf16> -> vector<256x64xbf16>
    %dot_general3A_1075 = arith.constant dense<0.000000e+00> : vector<64x64xf32>
    %dot_general3A_1076 = tpu.matmul %slice3A_1073, %transpose3A_1074, %dot_general3A_1075 {dimension_numbers = #tpu.dot_dimension_numbers<[1], [0], [0], [1], [0, 0, 1, 1], [], []>, transpose_lhs_hint = false} : vector<64x256xbf16>, vector<256x64xbf16>, vector<64x64xf32> -> vector<64x64xf32>
    %reduce_max3A_1077 = arith.constant dense<0xFF800000> : vector<64xf32>
    %reduce_max3A_1078 = vector.multi_reduction <maximumf>, %dot_general3A_1076, %reduce_max3A_1077 [1] : vector<64x64xf32> to vector<64xf32>
    %broadcast_in_dim3A_1079 = vector.shape_cast %reduce_max3A_1078 : vector<64xf32> to vector<64x1xf32>
    %sub3A_1080 = vector.broadcast %broadcast_in_dim3A_1079 : vector<64x1xf32> to vector<64x64xf32>
    %sub3A_1081 = arith.subf %dot_general3A_1076, %sub3A_1080 : vector<64x64xf32>
    %exp3A_1082 = math.exp %sub3A_1081 : vector<64x64xf32>
    %reduce_sum3A_1083 = arith.constant dense<0.000000e+00> : vector<64xf32>
    %reduce_sum3A_1084 = vector.multi_reduction <add>, %exp3A_1082, %reduce_sum3A_1083 [1] : vector<64x64xf32> to vector<64xf32>
    %broadcast_in_dim3A_1085 = vector.shape_cast %reduce_sum3A_1084 : vector<64xf32> to vector<64x1xf32>
    %div3A_1086 = vector.broadcast %broadcast_in_dim3A_1085 : vector<64x1xf32> to vector<64x64xf32>
    %div3A_1087 = arith.divf %exp3A_1082, %div3A_1086 : vector<64x64xf32>
    %convert_element_type3A_1088 = arith.truncf %div3A_1087 : vector<64x64xf32> to vector<64x64xbf16>
    %dot_general3A_1089 = arith.constant dense<0.000000e+00> : vector<64x256xf32>
    %dot_general3A_1090 = tpu.matmul %convert_element_type3A_1088, %slice3A_1073, %dot_general3A_1089 {dimension_numbers = #tpu.dot_dimension_numbers<[1], [0], [0], [1], [0, 0, 1, 1], [], []>, transpose_lhs_hint = false} : vector<64x64xbf16>, vector<64x256xbf16>, vector<64x256xf32> -> vector<64x256xf32>
    %slice3A_1091 = vector.extract_strided_slice %convert_element_type3A {offsets = [3904, 0], sizes = [64, 256], strides = [1, 1]} : vector<4096x256xbf16> to vector<64x256xbf16>
    %transpose3A_1092 = tpu.transpose %slice3A_1091, [1, 0] : vector<64x256xbf16> -> vector<256x64xbf16>
    %dot_general3A_1093 = arith.constant dense<0.000000e+00> : vector<64x64xf32>
    %dot_general3A_1094 = tpu.matmul %slice3A_1091, %transpose3A_1092, %dot_general3A_1093 {dimension_numbers = #tpu.dot_dimension_numbers<[1], [0], [0], [1], [0, 0, 1, 1], [], []>, transpose_lhs_hint = false} : vector<64x256xbf16>, vector<256x64xbf16>, vector<64x64xf32> -> vector<64x64xf32>
    %reduce_max3A_1095 = arith.constant dense<0xFF800000> : vector<64xf32>
    %reduce_max3A_1096 = vector.multi_reduction <maximumf>, %dot_general3A_1094, %reduce_max3A_1095 [1] : vector<64x64xf32> to vector<64xf32>
    %broadcast_in_dim3A_1097 = vector.shape_cast %reduce_max3A_1096 : vector<64xf32> to vector<64x1xf32>
    %sub3A_1098 = vector.broadcast %broadcast_in_dim3A_1097 : vector<64x1xf32> to vector<64x64xf32>
    %sub3A_1099 = arith.subf %dot_general3A_1094, %sub3A_1098 : vector<64x64xf32>
    %exp3A_1100 = math.exp %sub3A_1099 : vector<64x64xf32>
    %reduce_sum3A_1101 = arith.constant dense<0.000000e+00> : vector<64xf32>
    %reduce_sum3A_1102 = vector.multi_reduction <add>, %exp3A_1100, %reduce_sum3A_1101 [1] : vector<64x64xf32> to vector<64xf32>
    %broadcast_in_dim3A_1103 = vector.shape_cast %reduce_sum3A_1102 : vector<64xf32> to vector<64x1xf32>
    %div3A_1104 = vector.broadcast %broadcast_in_dim3A_1103 : vector<64x1xf32> to vector<64x64xf32>
    %div3A_1105 = arith.divf %exp3A_1100, %div3A_1104 : vector<64x64xf32>
    %convert_element_type3A_1106 = arith.truncf %div3A_1105 : vector<64x64xf32> to vector<64x64xbf16>
    %dot_general3A_1107 = arith.constant dense<0.000000e+00> : vector<64x256xf32>
    %dot_general3A_1108 = tpu.matmul %convert_element_type3A_1106, %slice3A_1091, %dot_general3A_1107 {dimension_numbers = #tpu.dot_dimension_numbers<[1], [0], [0], [1], [0, 0, 1, 1], [], []>, transpose_lhs_hint = false} : vector<64x64xbf16>, vector<64x256xbf16>, vector<64x256xf32> -> vector<64x256xf32>
    %slice3A_1109 = vector.extract_strided_slice %convert_element_type3A {offsets = [3968, 0], sizes = [64, 256], strides = [1, 1]} : vector<4096x256xbf16> to vector<64x256xbf16>
    %transpose3A_1110 = tpu.transpose %slice3A_1109, [1, 0] : vector<64x256xbf16> -> vector<256x64xbf16>
    %dot_general3A_1111 = arith.constant dense<0.000000e+00> : vector<64x64xf32>
    %dot_general3A_1112 = tpu.matmul %slice3A_1109, %transpose3A_1110, %dot_general3A_1111 {dimension_numbers = #tpu.dot_dimension_numbers<[1], [0], [0], [1], [0, 0, 1, 1], [], []>, transpose_lhs_hint = false} : vector<64x256xbf16>, vector<256x64xbf16>, vector<64x64xf32> -> vector<64x64xf32>
    %reduce_max3A_1113 = arith.constant dense<0xFF800000> : vector<64xf32>
    %reduce_max3A_1114 = vector.multi_reduction <maximumf>, %dot_general3A_1112, %reduce_max3A_1113 [1] : vector<64x64xf32> to vector<64xf32>
    %broadcast_in_dim3A_1115 = vector.shape_cast %reduce_max3A_1114 : vector<64xf32> to vector<64x1xf32>
    %sub3A_1116 = vector.broadcast %broadcast_in_dim3A_1115 : vector<64x1xf32> to vector<64x64xf32>
    %sub3A_1117 = arith.subf %dot_general3A_1112, %sub3A_1116 : vector<64x64xf32>
    %exp3A_1118 = math.exp %sub3A_1117 : vector<64x64xf32>
    %reduce_sum3A_1119 = arith.constant dense<0.000000e+00> : vector<64xf32>
    %reduce_sum3A_1120 = vector.multi_reduction <add>, %exp3A_1118, %reduce_sum3A_1119 [1] : vector<64x64xf32> to vector<64xf32>
    %broadcast_in_dim3A_1121 = vector.shape_cast %reduce_sum3A_1120 : vector<64xf32> to vector<64x1xf32>
    %div3A_1122 = vector.broadcast %broadcast_in_dim3A_1121 : vector<64x1xf32> to vector<64x64xf32>
    %div3A_1123 = arith.divf %exp3A_1118, %div3A_1122 : vector<64x64xf32>
    %convert_element_type3A_1124 = arith.truncf %div3A_1123 : vector<64x64xf32> to vector<64x64xbf16>
    %dot_general3A_1125 = arith.constant dense<0.000000e+00> : vector<64x256xf32>
    %dot_general3A_1126 = tpu.matmul %convert_element_type3A_1124, %slice3A_1109, %dot_general3A_1125 {dimension_numbers = #tpu.dot_dimension_numbers<[1], [0], [0], [1], [0, 0, 1, 1], [], []>, transpose_lhs_hint = false} : vector<64x64xbf16>, vector<64x256xbf16>, vector<64x256xf32> -> vector<64x256xf32>
    %slice3A_1127 = vector.extract_strided_slice %convert_element_type3A {offsets = [4032, 0], sizes = [64, 256], strides = [1, 1]} : vector<4096x256xbf16> to vector<64x256xbf16>
    %transpose3A_1128 = tpu.transpose %slice3A_1127, [1, 0] : vector<64x256xbf16> -> vector<256x64xbf16>
    %dot_general3A_1129 = arith.constant dense<0.000000e+00> : vector<64x64xf32>
    %dot_general3A_1130 = tpu.matmul %slice3A_1127, %transpose3A_1128, %dot_general3A_1129 {dimension_numbers = #tpu.dot_dimension_numbers<[1], [0], [0], [1], [0, 0, 1, 1], [], []>, transpose_lhs_hint = false} : vector<64x256xbf16>, vector<256x64xbf16>, vector<64x64xf32> -> vector<64x64xf32>
    %reduce_max3A_1131 = arith.constant dense<0xFF800000> : vector<64xf32>
    %reduce_max3A_1132 = vector.multi_reduction <maximumf>, %dot_general3A_1130, %reduce_max3A_1131 [1] : vector<64x64xf32> to vector<64xf32>
    %broadcast_in_dim3A_1133 = vector.shape_cast %reduce_max3A_1132 : vector<64xf32> to vector<64x1xf32>
    %sub3A_1134 = vector.broadcast %broadcast_in_dim3A_1133 : vector<64x1xf32> to vector<64x64xf32>
    %sub3A_1135 = arith.subf %dot_general3A_1130, %sub3A_1134 : vector<64x64xf32>
    %exp3A_1136 = math.exp %sub3A_1135 : vector<64x64xf32>
    %reduce_sum3A_1137 = arith.constant dense<0.000000e+00> : vector<64xf32>
    %reduce_sum3A_1138 = vector.multi_reduction <add>, %exp3A_1136, %reduce_sum3A_1137 [1] : vector<64x64xf32> to vector<64xf32>
    %broadcast_in_dim3A_1139 = vector.shape_cast %reduce_sum3A_1138 : vector<64xf32> to vector<64x1xf32>
    %div3A_1140 = vector.broadcast %broadcast_in_dim3A_1139 : vector<64x1xf32> to vector<64x64xf32>
    %div3A_1141 = arith.divf %exp3A_1136, %div3A_1140 : vector<64x64xf32>
    %convert_element_type3A_1142 = arith.truncf %div3A_1141 : vector<64x64xf32> to vector<64x64xbf16>
    %dot_general3A_1143 = arith.constant dense<0.000000e+00> : vector<64x256xf32>
    %dot_general3A_1144 = tpu.matmul %convert_element_type3A_1142, %slice3A_1127, %dot_general3A_1143 {dimension_numbers = #tpu.dot_dimension_numbers<[1], [0], [0], [1], [0, 0, 1, 1], [], []>, transpose_lhs_hint = false} : vector<64x64xbf16>, vector<64x256xbf16>, vector<64x256xf32> -> vector<64x256xf32>
    %concatenate3A = tpu.concatenate %dot_general3A_10, %dot_general3A_28, %dot_general3A_46, %dot_general3A_64, %dot_general3A_82, %dot_general3A_100, %dot_general3A_118, %dot_general3A_136, %dot_general3A_154, %dot_general3A_172, %dot_general3A_190, %dot_general3A_208, %dot_general3A_226, %dot_general3A_244, %dot_general3A_262, %dot_general3A_280, %dot_general3A_298, %dot_general3A_316, %dot_general3A_334, %dot_general3A_352, %dot_general3A_370, %dot_general3A_388, %dot_general3A_406, %dot_general3A_424, %dot_general3A_442, %dot_general3A_460, %dot_general3A_478, %dot_general3A_496, %dot_general3A_514, %dot_general3A_532, %dot_general3A_550, %dot_general3A_568, %dot_general3A_586, %dot_general3A_604, %dot_general3A_622, %dot_general3A_640, %dot_general3A_658, %dot_general3A_676, %dot_general3A_694, %dot_general3A_712, %dot_general3A_730, %dot_general3A_748, %dot_general3A_766, %dot_general3A_784, %dot_general3A_802, %dot_general3A_820, %dot_general3A_838, %dot_general3A_856, %dot_general3A_874, %dot_general3A_892, %dot_general3A_910, %dot_general3A_928, %dot_general3A_946, %dot_general3A_964, %dot_general3A_982, %dot_general3A_1000, %dot_general3A_1018, %dot_general3A_1036, %dot_general3A_1054, %dot_general3A_1072, %dot_general3A_1090, %dot_general3A_1108, %dot_general3A_1126, %dot_general3A_1144 in 0 : vector<64x256xf32>, vector<64x256xf32>, vector<64x256xf32>, vector<64x256xf32>, vector<64x256xf32>, vector<64x256xf32>, vector<64x256xf32>, vector<64x256xf32>, vector<64x256xf32>, vector<64x256xf32>, vector<64x256xf32>, vector<64x256xf32>, vector<64x256xf32>, vector<64x256xf32>, vector<64x256xf32>, vector<64x256xf32>, vector<64x256xf32>, vector<64x256xf32>, vector<64x256xf32>, vector<64x256xf32>, vector<64x256xf32>, vector<64x256xf32>, vector<64x256xf32>, vector<64x256xf32>, vector<64x256xf32>, vector<64x256xf32>, vector<64x256xf32>, vector<64x256xf32>, vector<64x256xf32>, vector<64x256xf32>, vector<64x256xf32>, vector<64x256xf32>, vector<64x256xf32>, vector<64x256xf32>, vector<64x256xf32>, vector<64x256xf32>, vector<64x256xf32>, vector<64x256xf32>, vector<64x256xf32>, vector<64x256xf32>, vector<64x256xf32>, vector<64x256xf32>, vector<64x256xf32>, vector<64x256xf32>, vector<64x256xf32>, vector<64x256xf32>, vector<64x256xf32>, vector<64x256xf32>, vector<64x256xf32>, vector<64x256xf32>, vector<64x256xf32>, vector<64x256xf32>, vector<64x256xf32>, vector<64x256xf32>, vector<64x256xf32>, vector<64x256xf32>, vector<64x256xf32>, vector<64x256xf32>, vector<64x256xf32>, vector<64x256xf32>, vector<64x256xf32>, vector<64x256xf32>, vector<64x256xf32>, vector<64x256xf32> -> vector<4096x256xf32>
    %convert_element_type3A_1145 = arith.truncf %concatenate3A : vector<4096x256xf32> to vector<4096x256xbf16>
    %concatenate3A_1146 = tpu.concatenate %convert_element_type3A, %convert_element_type3A_1145 in 1 : vector<4096x256xbf16>, vector<4096x256xbf16> -> vector<4096x512xbf16>
    %get3A_1147 = arith.constant 0 : index
    %get3A_1148 = arith.constant 0 : index
    %get3A_1149 = vector.load %arg2[%get3A_1147, %get3A_1148] : memref<512x512xbf16, #tpu.memory_space<vmem>>, vector<512x512xbf16>
    %dot_general3A_1150 = arith.constant dense<0.000000e+00> : vector<4096x512xf32>
    %dot_general3A_1151 = tpu.matmul %concatenate3A_1146, %get3A_1149, %dot_general3A_1150 {dimension_numbers = #tpu.dot_dimension_numbers<[1], [0], [0], [1], [0, 0, 1, 1], [], []>, transpose_lhs_hint = false} : vector<4096x512xbf16>, vector<512x512xbf16>, vector<4096x512xf32> -> vector<4096x512xf32>
    %get3A_1152 = arith.constant 0 : index
    %get3A_1153 = arith.constant 0 : index
    %get3A_1154 = vector.load %arg3[%get3A_1152, %get3A_1153] : memref<1x512xf32, #tpu.memory_space<vmem>>, vector<1x512xf32>
    %add3A = vector.broadcast %get3A_1154 : vector<1x512xf32> to vector<4096x512xf32>
    %add3A_1155 = arith.addf %dot_general3A_1151, %add3A : vector<4096x512xf32>
    %max3A = arith.constant 0.000000e+00 : f32
    %max3A_1156 = vector.broadcast %max3A : f32 to vector<4096x512xf32>
    %max3A_1157 = arith.maximumf %add3A_1155, %max3A_1156 : vector<4096x512xf32>
    %convert_element_type3A_1158 = arith.truncf %max3A_1157 : vector<4096x512xf32> to vector<4096x512xbf16>
    %get3A_1159 = arith.constant 0 : index
    %get3A_1160 = arith.constant 0 : index
    %get3A_1161 = vector.load %arg4[%get3A_1159, %get3A_1160] : memref<512x512xbf16, #tpu.memory_space<vmem>>, vector<512x512xbf16>
    %dot_general3A_1162 = arith.constant dense<0.000000e+00> : vector<4096x512xf32>
    %dot_general3A_1163 = tpu.matmul %convert_element_type3A_1158, %get3A_1161, %dot_general3A_1162 {dimension_numbers = #tpu.dot_dimension_numbers<[1], [0], [0], [1], [0, 0, 1, 1], [], []>, transpose_lhs_hint = false} : vector<4096x512xbf16>, vector<512x512xbf16>, vector<4096x512xf32> -> vector<4096x512xf32>
    %get3A_1164 = arith.constant 0 : index
    %get3A_1165 = arith.constant 0 : index
    %get3A_1166 = vector.load %arg5[%get3A_1164, %get3A_1165] : memref<1x512xf32, #tpu.memory_space<vmem>>, vector<1x512xf32>
    %add3A_1167 = vector.broadcast %get3A_1166 : vector<1x512xf32> to vector<4096x512xf32>
    %add3A_1168 = arith.addf %dot_general3A_1163, %add3A_1167 : vector<4096x512xf32>
    %gt3A = arith.constant 0.000000e+00 : f32
    %gt3A_1169 = vector.broadcast %gt3A : f32 to vector<4096x512xf32>
    %gt3A_1170 = arith.cmpf ogt, %add3A_1168, %gt3A_1169 : vector<4096x512xf32>
    %get3A_1171 = arith.constant 0 : index
    %get3A_1172 = arith.constant 0 : index
    %get3A_1173 = vector.load %arg6[%get3A_1171, %get3A_1172] : memref<1x512xf32, #tpu.memory_space<vmem>>, vector<1x512xf32>
    %mul3A = vector.broadcast %get3A_1173 : vector<1x512xf32> to vector<4096x512xf32>
    %mul3A_1174 = arith.mulf %mul3A, %add3A_1168 : vector<4096x512xf32>
    %select_n3A = arith.select %gt3A_1170, %add3A_1168, %mul3A_1174 : vector<4096x512xi1>, vector<4096x512xf32>
    %get3A_1175 = arith.constant 0 : index
    %get3A_1176 = arith.constant 0 : index
    %get3A_1177 = vector.load %arg7[%get3A_1175, %get3A_1176] : memref<1x512xf32, #tpu.memory_space<vmem>>, vector<1x512xf32>
    %mul3A_1178 = vector.broadcast %get3A_1177 : vector<1x512xf32> to vector<4096x512xf32>
    %mul3A_1179 = arith.mulf %select_n3A, %mul3A_1178 : vector<4096x512xf32>
    %reduce_sum3A_1180 = arith.constant dense<0.000000e+00> : vector<4096xf32>
    %reduce_sum3A_1181 = vector.multi_reduction <add>, %mul3A_1179, %reduce_sum3A_1180 [1] : vector<4096x512xf32> to vector<4096xf32>
    %get3A_1182 = arith.constant 0 : index
    %get3A_1183 = arith.constant 0 : index
    %get3A_1184 = vector.load %arg8[%get3A_1182, %get3A_1183] : memref<1x1xf32, #tpu.memory_space<vmem>>, vector<1x1xf32>
    %get3A_1185 = vector.extract %get3A_1184[0, 0] : f32 from vector<1x1xf32>
    %add3A_1186 = vector.broadcast %get3A_1185 : f32 to vector<4096xf32>
    %add3A_1187 = arith.addf %reduce_sum3A_1181, %add3A_1186 : vector<4096xf32>
    %reshape3A = vector.shape_cast %add3A_1187 : vector<4096xf32> to vector<64x64xf32>
    %swap3A = arith.constant 0 : index
    %swap3A_1188 = arith.constant 0 : index
    %swap3A_1189 = vector.load %arg9[%swap3A, %swap3A_1188] : memref<64x64xf32, #tpu.memory_space<vmem>>, vector<64x64xf32>
    tpu.vector_store %arg9[%swap3A, %swap3A_1188], %reshape3A {strides = array<i32>} : memref<64x64xf32, #tpu.memory_space<vmem>>, vector<64x64xf32>,
    return
  }
  func.func @transform_0(%arg0: i32) -> (i32, i32) {
    %c0_i32 = arith.constant 0 : i32
    %c0_i32_0 = arith.constant 0 : i32
    return %arg0, %c0_i32 : i32, i32
  }
  func.func @transform_1(%arg0: i32) -> (i32, i32) {
    %c0_i32 = arith.constant 0 : i32
    %c0_i32_0 = arith.constant 0 : i32
    %c0_i32_1 = arith.constant 0 : i32
    return %c0_i32, %c0_i32_0 : i32, i32
  }
  func.func @transform_2(%arg0: i32) -> (i32, i32) {
    %c0_i32 = arith.constant 0 : i32
    %c0_i32_0 = arith.constant 0 : i32
    %c0_i32_1 = arith.constant 0 : i32
    return %c0_i32, %c0_i32_0 : i32, i32
  }
  func.func @transform_3(%arg0: i32) -> (i32, i32) {
    %c0_i32 = arith.constant 0 : i32
    %c0_i32_0 = arith.constant 0 : i32
    %c0_i32_1 = arith.constant 0 : i32
    return %c0_i32, %c0_i32_0 : i32, i32
  }
  func.func @transform_4(%arg0: i32) -> (i32, i32) {
    %c0_i32 = arith.constant 0 : i32
    %c0_i32_0 = arith.constant 0 : i32
    %c0_i32_1 = arith.constant 0 : i32
    return %c0_i32, %c0_i32_0 : i32, i32
  }
  func.func @transform_5(%arg0: i32) -> (i32, i32) {
    %c0_i32 = arith.constant 0 : i32
    %c0_i32_0 = arith.constant 0 : i32
    %c0_i32_1 = arith.constant 0 : i32
    return %c0_i32, %c0_i32_0 : i32, i32
  }
  func.func @transform_6(%arg0: i32) -> (i32, i32) {
    %c0_i32 = arith.constant 0 : i32
    %c0_i32_0 = arith.constant 0 : i32
    %c0_i32_1 = arith.constant 0 : i32
    return %c0_i32, %c0_i32_0 : i32, i32
  }
  func.func @transform_7(%arg0: i32) -> (i32, i32) {
    %c0_i32 = arith.constant 0 : i32
    %c0_i32_0 = arith.constant 0 : i32
    %c0_i32_1 = arith.constant 0 : i32
    return %c0_i32, %c0_i32_0 : i32, i32
  }
  func.func @transform_8(%arg0: i32) -> (i32, i32) {
    %c0_i32 = arith.constant 0 : i32
    %c0_i32_0 = arith.constant 0 : i32
    return %arg0, %c0_i32 : i32, i32
  }
}

</mosaic_0001>

<sc_bundles>
// kernel: kernel.4.cloned.1.call-start
scs
__scs_entry_jumppad:
0x0: {  	(pc) =	sbr.rel $0x88, $3  }
0x1: {  	(tag) =	ssettag $0x0;
	lr =	simm.s32 $0x1  }
0x2: {  	[smem:$0x3F98] =	sst lr;
	_ =	strace $0xD0000000  }
0x3: {  	_ = 	snop  }
0x4: {  	_ = 	snop  }
0x5: {  	_ = 	snop  }
0x6: {  	_ = 	snop  }
0x7: {  	_ = 	snop  }
__scs_overlays_trampoline_lowered:
0x8: {  	[smem:$0x3FA7] =	sst s0  }
0x9: {  	[smem:$0x3FA8] =	sst s1  }
0xa: {  	[smem:$0x3FA9] =	sst s2  }
0xb: {  	[smem:$0x3FAA] =	sst s3  }
0xc: {  	[smem:$0x3FAB] =	sst s4  }
0xd: {  	[smem:$0x3FAC] =	sst s5  }
0xe: {  	[smem:$0x3FAD] =	sst s6  }
0xf: {  	[smem:$0x3FAE] =	sst s7  }
0x10: {  	[smem:$0x3FAF] =	sst s8  }
0x11: {  	[smem:$0x3FB0] =	sst s9;
	s0 =	simm.s32 @!p0 $0x0  }
0x12: {  	s1 =	sld [smem:$0x3F96];
	s0 =	simm.s32 @p0 $0x1  }
0x13: {  	[smem:$0x3FB1] =	sst s0;
	s0 =	simm.s32 @!p1 $0x0  }
0x14: {  	s2 =	sld [smem:$0x3F95];
	s0 =	simm.s32 @p1 $0x1  }
0x15: {  	[smem:$0x3FB2] =	sst s0;
	s0 =	simm.s32 @!p2 $0x0  }
0x16: {  	s3 =	sld [smem:$0x3FDB];
	s0 =	simm.s32 @p2 $0x1  }
0x17: {  	s4 =	simm.s32 $0x1BF5;
	[smem:$0x3FB4] =	sst s0  }
0x18: {  	s0 =	sld [smem:$0x3F97];
	_ =	swait.ge [sflag:s4], $0x0  }
0x19: {  	s7 =	sld [smem:$0x3F98]  }
0x1a: {  	s8 =	sadd.s32 $0xFFFFE003, lr  }
0x1b: {  	s9 =	sadd.s32 $0xFFFFFEF7, lr;
	s5 =	simm.s32 $0xFFFFFFFF;
	p2 =	slt.u32 s8, $0xFFFFF086  }
0x1c: {  	p1 =	slt.u32 s9, $0xF7A;
	s5 =	simm.s32 @!p2 $0x0  }
0x1d: {  	s5 =	simm.s32 @p1 $0x1;
	p0 =	seq.s32 s7, s2  }
0x1e: {  	s7 =	smul.u32 @!p0 $0xF7A, s2;
	p2 =	seq.s32 @!p0 s5, $0x0  }
0x1f: {  	s9 =	smul.u32 $0xF7A, s1;
	s8 =	simm.s32 @!p0 $0x1BF5;
	p2 =	por !p2, p0  }
0x20: {  	[sflag:s8] =	ssyncset.s32 @!p0 $0xFFFFF086;
	s6 =	sadd.s32 @!p0 s3, s7;
	s7 =	simm.s32 @!p0 $0x108  }
0x21: {  	s3 =	sadd.s32 s3, s9;
	s6 =	sadd.s32 @!p0 $0x88, s6;
	s7 =	simm.s32 @p2 $0x1082  }
0x22: {  	[simem:s7], [sflag:s8] =	dma.local @!p0 [hbm:s6], $0xF7A  }
0x23: {  	s9 =	sor.u32 $0xD0000000, s2;
	s6 =	simm.s32 $0x108;
	_ =	swait.ge @!p0 [sflag:s8], $0x0  }
0x24: {  	s3 =	sadd.s32 $0x88, s3;
	s6 =	simm.s32 @!p1 $0x1082;
	[sflag:s4] =	ssyncset.s32 $0xFFFFF086  }
0x25: {  	[simem:s6], [sflag:s4] =	dma.local [hbm:s3], $0xF7A  }
0x26: {  	[smem:$0x3F98] =	sst s1;
	(tag) =	ssettag s2;
	_ =	strace s9  }
0x27: {  	s1 =	sld [smem:$0x3FA8]  }
0x28: {  	s2 =	sld [smem:$0x3FA9]  }
0x29: {  	s4 =	sld [smem:$0x3FAB]  }
0x2a: {  	p0 =	seq.s32 s5, $0x0;
	s5 =	sld [smem:$0x3FAC]  }
0x2b: {  	s6 =	sld [smem:$0x3FAD]  }
0x2c: {  	s7 =	sld [smem:$0x3FAE]  }
0x2d: {  	s3 =	simm.s32 $0x108;
	s8 =	sld [smem:$0x3FAF]  }
0x2e: {  	s3 =	simm.s32 @!p0 $0x1082;
	s9 =	sld [smem:$0x3FB0]  }
0x2f: {  	lr =	sadd.s32 s0, s3;
	s0 =	sld [smem:$0x3FA7]  }
0x30: {  	s3 =	sld [smem:$0x3FAA]  }
0x31: {  	[smem:$0x3FB3] =	sst s10  }
0x32: {  	s10 =	sld [smem:$0x3FB1];
	_ =	sdelay $0x3  }
0x33: {  	p0 =	seq.s32 s10, $0x1;
	s10 =	sld [smem:$0x3FB3];
	_ =	sdelay $0x3  }
0x34: {  	[smem:$0x3FB3] =	sst s10  }
0x35: {  	s10 =	sld [smem:$0x3FB2];
	_ =	sdelay $0x3  }
0x36: {  	p1 =	seq.s32 s10, $0x1;
	s10 =	sld [smem:$0x3FB3];
	_ =	sdelay $0x3  }
0x37: {  	[smem:$0x3FB3] =	sst s10  }
0x38: {  	s10 =	sld [smem:$0x3FB4]  }
0x39: {  	_ = 	snop;
	(pc) =	sbr.ind lr, $3  }
0x3a: {  	_ = 	snop  }
0x3b: {  	_ = 	snop  }
0x3c: {  	p2 =	seq.s32 s10, $0x1;
	s10 =	sld [smem:$0x3FB3]  }
0x3d: {  	_ =	shalt  }
0x3e: {  	_ =	shalt  }
0x3f: {  	_ =	shalt  }
0x40: {  	_ =	shalt  }
0x41: {  	_ =	shalt  }
0x42: {  	_ =	shalt  }
0x43: {  	_ =	shalt  }
0x44: {  	_ =	shalt  }
0x45: {  	_ =	shalt  }
0x46: {  	_ =	shalt  }
0x47: {  	_ =	shalt  }
0x48: {  	_ =	shalt  }
0x49: {  	_ =	shalt  }
0x4a: {  	_ =	shalt  }
0x4b: {  	_ =	shalt  }
0x4c: {  	_ =	shalt  }
0x4d: {  	_ =	shalt  }
0x4e: {  	_ =	shalt  }
0x4f: {  	_ =	shalt  }
0x50: {  	_ =	shalt  }
0x51: {  	_ =	shalt  }
0x52: {  	_ =	shalt  }
0x53: {  	_ =	shalt  }
0x54: {  	_ =	shalt  }
0x55: {  	_ =	shalt  }
0x56: {  	_ =	shalt  }
0x57: {  	_ =	shalt  }
0x58: {  	_ =	shalt  }
0x59: {  	_ =	shalt  }
0x5a: {  	_ =	shalt  }
0x5b: {  	_ =	shalt  }
0x5c: {  	_ =	shalt  }
0x5d: {  	_ =	shalt  }
0x5e: {  	_ =	shalt  }
0x5f: {  	_ =	shalt  }
0x60: {  	_ =	shalt  }
0x61: {  	_ =	shalt  }
0x62: {  	_ =	shalt  }
0x63: {  	_ =	shalt  }
0x64: {  	_ =	shalt  }
0x65: {  	_ =	shalt  }
0x66: {  	_ =	shalt  }
0x67: {  	_ =	shalt  }
0x68: {  	_ =	shalt  }
0x69: {  	_ =	shalt  }
0x6a: {  	_ =	shalt  }
0x6b: {  	_ =	shalt  }
0x6c: {  	_ =	shalt  }
0x6d: {  	_ =	shalt  }
0x6e: {  	_ =	shalt  }
0x6f: {  	_ =	shalt  }
0x70: {  	_ =	shalt  }
0x71: {  	_ =	shalt  }
0x72: {  	_ =	shalt  }
0x73: {  	_ =	shalt  }
0x74: {  	_ =	shalt  }
0x75: {  	_ =	shalt  }
0x76: {  	_ =	shalt  }
0x77: {  	_ =	shalt  }
0x78: {  	_ =	shalt  }
0x79: {  	_ =	shalt  }
0x7a: {  	_ =	shalt  }
0x7b: {  	_ =	shalt  }
0x7c: {  	_ =	shalt  }
0x7d: {  	_ =	shalt  }
0x7e: {  	_ =	shalt  }
0x7f: {  	_ =	shalt  }
0x80: {  	_ =	shalt  }
0x81: {  	_ =	shalt  }
0x82: {  	_ =	shalt  }
0x83: {  	_ =	shalt  }
0x84: {  	_ =	shalt  }
0x85: {  	_ =	shalt  }
0x86: {  	_ =	shalt  }
0x87: {  	_ =	shalt  }
.Lfunc_end0:
.L_simem_size_0:
called_computation_lowered:
.L_overlay_start_0:
0x88: {  	s2 =	sld [smem:$0x3FD9]  }
0x89: {  	s3 =	sld [smem:$0x3FFE];
	_ =	sdelay $0x1  }
0x8a: {  	s1 =	srdreg.scid  }
0x8b: {  	s0 =	sand.u32 $0x1, s1  }
0x8c: {  	s17 =	sshll.u32 s0, $0xA;
	s2 =	sadd.s32 s3, s2  }
0x8d: {  	s2 =	sadd.s32 s2, s17  }
0x8e: {  	[smem:$0x3FBF] =	sst s2  }
0x8f: {  	_ = 	snop  }
0x90: {  	s2 =	sld [smem:$0x3FC9]  }
0x91: {  	s18 =	sld [smem:$0x3FD0];
	(tm) =	ssettm $0x1  }
0x92: {  	s4 =	sld [smem:$0x3FFB];
	_ =	sdelay $0x3  }
0x93: {  	_ =	strace s4  }
0x94: {  	s4 =	sld [smem:$0x3FFC];
	_ =	sdelay $0x3  }
0x95: {  	_ =	strace s4  }
0x96: {  	s4 =	sld [smem:$0x3FFD];
	_ =	sdelay $0x3  }
0x97: {  	_ =	strace s4  }
0x98: {  	_ =	strace $0x8FFFFFFF  }
0x99: {  	s19 =	sld [smem:$0x3FDB];
	_ =	sdelay $0x1  }
0x9a: {  	s5 =	simm.s32 $_scs_section_size  }
0x9b: {  	s6 =	simm.s32 $_size__tile_overlayer_lowered;
	s7 =	simm.s32 $_tile_overlayer_lowered  }
0x9c: {  	s22 =	simm.s32 $0x1BFF;
	s21 =	sshll.u32 s7, $0x1;
	s4 =	sadd.s32 s5, s19  }
0x9d: {  	s8 =	simm.s32 $0x0;
	s20 =	sshll.u32 s6, $0x1;
	s6 =	sadd.s32 s21, s4  }
0x9e: {  	[timem:s8], [sflag:s22] =	dma.local [hbm:s6], s20  }
0x9f: {  	_ =	swait.ge [sflag:s22], s20  }
0xa0: {  	s5 =	ssub.s32 $0x0, s20;
	[sflag:s22] =	ssyncset.done $0x0  }
0xa1: {  	[sflag:s22] =	ssyncadd.s32 s5;
	_ =	sdelay $0x1  }
0xa2: {  	s23 =	simm.s32 $0x1B8B  }
0xa3: {  	_ =	swait.ge [sflag:s23], $0x1  }
0xa4: {  	[sflag:s23] =	ssyncset.done $0x0  }
0xa5: {  	s25 =	simm.s32 $0x1B8E;
	s24 =	sld [smem:$0x3FFE];
	[sflag:s23] =	ssyncadd.s32 $0xFFFFFFFF  }
0xa6: {  	s26 =	simm.s32 $execute0_lowered;
	[smem:$0x3FD2] =	sst s25  }
0xa7: {  	s6 =	sshll.u32 s26, $0x1;
	_ =	strace $0x80000046;
	[dreg:$0x1] =	wrdreg $0xFFFFFFFF  }
0xa8: {  	s28 =	simm.s32 $_size_execute0_lowered;
	s4 =	sadd.s32 s4, s6;
	[dreg:$0x0] =	wrdreg $0x0  }
0xa9: {  	s6 =	sshll.u32 s28, $0x1;
	[dreg:$0x2] =	wrdreg s4  }
0xaa: {  	[dreg:$0x3] =	wrdreg s6  }
0xab: {  	[dreg:$0x4] =	wrdreg $0xC0  }
0xac: {  	_ =	task [dreg:s8], $0x5FFFF  }
0xad: {  	[dreg:$0x1] =	wrdreg $0xFFFFFFFF  }
0xae: {  	[dreg:$0x0] =	wrdreg $0x60  }
0xaf: {  	[dreg:$0x2] =	wrdreg s2  }
0xb0: {  	[dreg:$0x3] =	wrdreg s18  }
0xb1: {  	[dreg:$0x4] =	wrdreg s24  }
0xb2: {  	[dreg:$0x5] =	wrdreg $0x9  }
0xb3: {  	_ =	task.clear_ibuf [dreg:s8], $0x6FFFF;
	_ =	strace $0x90000046  }
0xb4: {  	s29 =	simm.s32 $0x9;
	_ =	strace $0x80000048  }
0xb5: {  	_ =	swait.ge [sflag:s29], $0x1  }
0xb6: {  	[sflag:s29] =	ssyncadd.s32 $0xFFFFFFFF  }
0xb7: {  	_ =	strace $0x90000048  }
0xb8: {  	_ =	sfence  }
0xb9: {  	s30 =	sld [smem:$0x0];
	_ =	sdelay $0x2  }
0xba: {  	s31 =	sshll.u32 s1, $0xD;
	s1 =	sshrl.u32 s1, $0x2  }
0xbb: {  	s3 =	sand.u32 $0x4000, s31;
	s1 =	sadd.s32 s1, s30  }
0xbc: {  	s0 =	sor.u32 s3, s0;
	s1 =	sshll.u32 s1, $0x11  }
0xbd: {  	s0 =	sor.u32 s1, s0  }
0xbe: {  	s0 =	sadd.s32 $0x8F2B, s0  }
0xbf: {  	[sflag:s0] =	ssyncadd.remote.s32 $0x1  }
0xc0: {  	_ =	sfence.sel $0xFFFF  }
0xc1: {  	[dreg:$0x0] =	wrdreg $0xFFFFFFFF;
	(pc) =	sbr.abs _section_cstart, $3  }
0xc2: {  	[dreg:$0x1] =	wrdreg $0xFFFFFFFF  }
0xc3: {  	_ =	task.clear_ibuf [dreg:s8], $0x2FFFF;
	_ =	strace $0x9FFFFFFF  }
0xc4: {  	(tm) =	ssettm $0x7FFFFFFF  }
0xc5: {  	_ =	shalt  }
tec
execute0_lowered:
.L_overlay_start_1:
0x0: {  	(tag) =	ssettag $0x1  }
0x1: {  	s1 =	rddreg [dreg:$0x0]  }
0x2: {  	s4 =	rddreg [dreg:$0x1]  }
0x3: {  	s5 =	rddreg [dreg:$0x2];
	s3 =	srdreg.scid  }
0x4: {  	s0 =	rddreg [dreg:$0x3];
	s2 =	stileid.u32;
	s10 =	simm.s32 $0x1080  }
0x5: {  	s11 =	simm.s32 $0x1880;
	s12 =	simm.s32 $0x2080;
	s13 =	simm.s32 $0x2880  }
0x6: {  	s14 =	simm.s32 $0x3080;
	s15 =	simm.s32 $0x3880;
	s16 =	simm.s32 $0x4080  }
0x7: {  	s17 =	simm.s32 $0x4880;
	s18 =	simm.s32 $0x5080;
	s19 =	simm.s32 $0x5880  }
0x8: {  	s20 =	simm.s32 $0x6080;
	s21 =	simm.s32 $0x6880;
	s22 =	simm.s32 $0x7080  }
0x9: {  	s23 =	simm.s32 $0x7880;
	s24 =	simm.s32 $0x1;
	s6 =	sand.u32 $0x1, s3  }
0xa: {  	s3 =	simm.s32 $0x0;
	s7 =	sshll.u32 s2, $0x8;
	s8 =	sshll.u32 s6, $0x7  }
0xb: {  	[smem:$0x7FF] =	sst s3;
	s6 =	ssub.s32 $0x2, s6;
	s7 =	sor.u32 s8, s7  }
0xc: {  	_ =	strace $0x80000047;
	s9 =	sshrl.u32 s6, $0x1;
	s8 =	sshll.u32 s7, $0x5  }
0xd: {  	v2 =	vlaneseq.u32;
	s6 =	ssub.s32 s6, s9;
	s7 =	sshrl.u32 s7, $0x3;
	s9 =	simm.s32 $0x880  }
0xe: {  	vm0 =	vmmov $0xffff;
	v1 =	vshrl.u32 v2, $0x3;
	s5 =	sadd.s32 s8, s5;
	s4 =	sadd.s32 s4, s7;
	s6 =	smax.u32 s6, $0x1  }
0xf: {  	v0 =	vand.u32 $0x7, v2;
	v2 =	vor.u32 $0x8, v2;
	v1 =	vmul.u32 $0x8, v1;
	s7 =	simm.s32 $0x2;
	s8 =	simm.s32 $0x80;
	s5 =	sadd.s32 $0x1200, s5  }
.LBB2_1:
0x10: {  	[tilespmem:s3], [sflag:$0x2] =	stream.linear.gather [hbm4b:s4+s3], $0x80, $0x38;
	[tilespmem:$0x8080] =	vst v63  }
0x11: {  	_ =	swait.ge [sflag:s7], $0x80  }
0x12: {  	[sflag:s7] =	ssyncset.done $0x0  }
0x13: {  	[sflag:s7] =	ssyncadd.s32 $0xFFFFFF80  }
0x14: {  	v3 =	vld [tilespmem:$0x0];
	_ =	sdelay $0x4  }
0x15: {  	v4 =	vshll.u32 v3, $0x1  }
0x16: {  	v3 =	vand.u32 $0x7, v3;
	v4 =	vand.u32 $0xFFFFFFF0, v4  }
0x17: {  	v3 =	vor.u32 v3, v4  }
0x18: {  	v4 =	vperm.xlane v3, v0;
	_ =	sdelay $0x1  }
0x19: {  	v3 =	vperm.xlane v3, v2;
	v4 =	vadd.s32 v1, v4;
	_ =	sdelay $0x1  }
0x1a: {  	v3 =	vadd.s32 v1, v3;
	_ =	sdelay $0x2  }
0x1b: {  	[tilespmem:s8], [sflag:$0x1] =	stream.indirect_vreg.gather [hbm4b:s1+s3], $0x80, v4, vm0, $0xb8;
	[tilespmem:$0x8080] =	vst v63  }
0x1c: {  	_ = 	snop  }
0x1d: {  	[tilespmem:s9], [sflag:$0x1] =	stream.indirect_vreg.gather [hbm4b:s1+s3], $0x80, v3, vm0, $0xb8;
	[tilespmem:$0x8080] =	vst v63  }
0x1e: {  	v3 =	vld [tilespmem:$0x10];
	_ =	sdelay $0x4  }
0x1f: {  	v57 =	vshll.u32 v3, $0x1  }
0x20: {  	v3 =	vand.u32 $0x7, v3;
	v4 =	vand.u32 $0xFFFFFFF0, v57  }
0x21: {  	v3 =	vor.u32 v3, v4  }
0x22: {  	v4 =	vperm.xlane v3, v0;
	_ =	sdelay $0x1  }
0x23: {  	v3 =	vperm.xlane v3, v2;
	v4 =	vadd.s32 v1, v4;
	_ =	sdelay $0x1  }
0x24: {  	v3 =	vadd.s32 v1, v3;
	_ =	sdelay $0x2  }
0x25: {  	[tilespmem:s10], [sflag:$0x1] =	stream.indirect_vreg.gather [hbm4b:s1+s3], $0x80, v4, vm0, $0xb8;
	[tilespmem:$0x8080] =	vst v63  }
0x26: {  	_ = 	snop  }
0x27: {  	[tilespmem:s11], [sflag:$0x1] =	stream.indirect_vreg.gather [hbm4b:s1+s3], $0x80, v3, vm0, $0xb8;
	[tilespmem:$0x8080] =	vst v63  }
0x28: {  	v3 =	vld [tilespmem:$0x20];
	_ =	sdelay $0x4  }
0x29: {  	v58 =	vshll.u32 v3, $0x1  }
0x2a: {  	v3 =	vand.u32 $0x7, v3;
	v4 =	vand.u32 $0xFFFFFFF0, v58  }
0x2b: {  	v3 =	vor.u32 v3, v4  }
0x2c: {  	v4 =	vperm.xlane v3, v0;
	_ =	sdelay $0x1  }
0x2d: {  	v3 =	vperm.xlane v3, v2;
	v4 =	vadd.s32 v1, v4;
	_ =	sdelay $0x1  }
0x2e: {  	v3 =	vadd.s32 v1, v3;
	_ =	sdelay $0x2  }
0x2f: {  	[tilespmem:s12], [sflag:$0x1] =	stream.indirect_vreg.gather [hbm4b:s1+s3], $0x80, v4, vm0, $0xb8;
	[tilespmem:$0x8080] =	vst v63  }
0x30: {  	_ = 	snop  }
0x31: {  	[tilespmem:s13], [sflag:$0x1] =	stream.indirect_vreg.gather [hbm4b:s1+s3], $0x80, v3, vm0, $0xb8;
	[tilespmem:$0x8080] =	vst v63  }
0x32: {  	v3 =	vld [tilespmem:$0x30];
	_ =	sdelay $0x4  }
0x33: {  	v59 =	vshll.u32 v3, $0x1  }
0x34: {  	v3 =	vand.u32 $0x7, v3;
	v4 =	vand.u32 $0xFFFFFFF0, v59  }
0x35: {  	v3 =	vor.u32 v3, v4  }
0x36: {  	v4 =	vperm.xlane v3, v0;
	_ =	sdelay $0x1  }
0x37: {  	v3 =	vperm.xlane v3, v2;
	v4 =	vadd.s32 v1, v4;
	_ =	sdelay $0x1  }
0x38: {  	v3 =	vadd.s32 v1, v3;
	_ =	sdelay $0x2  }
0x39: {  	[tilespmem:s14], [sflag:$0x1] =	stream.indirect_vreg.gather [hbm4b:s1+s3], $0x80, v4, vm0, $0xb8;
	[tilespmem:$0x8080] =	vst v63  }
0x3a: {  	_ = 	snop  }
0x3b: {  	[tilespmem:s15], [sflag:$0x1] =	stream.indirect_vreg.gather [hbm4b:s1+s3], $0x80, v3, vm0, $0xb8;
	[tilespmem:$0x8080] =	vst v63  }
0x3c: {  	v3 =	vld [tilespmem:$0x40];
	_ =	sdelay $0x4  }
0x3d: {  	v60 =	vshll.u32 v3, $0x1  }
0x3e: {  	v3 =	vand.u32 $0x7, v3;
	v4 =	vand.u32 $0xFFFFFFF0, v60  }
0x3f: {  	v3 =	vor.u32 v3, v4  }
0x40: {  	v4 =	vperm.xlane v3, v0;
	_ =	sdelay $0x1  }
0x41: {  	v3 =	vperm.xlane v3, v2;
	v4 =	vadd.s32 v1, v4;
	_ =	sdelay $0x1  }
0x42: {  	v3 =	vadd.s32 v1, v3;
	_ =	sdelay $0x2  }
0x43: {  	[tilespmem:s16], [sflag:$0x1] =	stream.indirect_vreg.gather [hbm4b:s1+s3], $0x80, v4, vm0, $0xb8;
	[tilespmem:$0x8080] =	vst v63  }
0x44: {  	_ = 	snop  }
0x45: {  	[tilespmem:s17], [sflag:$0x1] =	stream.indirect_vreg.gather [hbm4b:s1+s3], $0x80, v3, vm0, $0xb8;
	[tilespmem:$0x8080] =	vst v63  }
0x46: {  	v3 =	vld [tilespmem:$0x50];
	_ =	sdelay $0x4  }
0x47: {  	v61 =	vshll.u32 v3, $0x1  }
0x48: {  	v3 =	vand.u32 $0x7, v3;
	v4 =	vand.u32 $0xFFFFFFF0, v61  }
0x49: {  	v3 =	vor.u32 v3, v4  }
0x4a: {  	v4 =	vperm.xlane v3, v0;
	_ =	sdelay $0x1  }
0x4b: {  	v3 =	vperm.xlane v3, v2;
	v4 =	vadd.s32 v1, v4;
	_ =	sdelay $0x1  }
0x4c: {  	v3 =	vadd.s32 v1, v3;
	_ =	sdelay $0x2  }
0x4d: {  	[tilespmem:s18], [sflag:$0x1] =	stream.indirect_vreg.gather [hbm4b:s1+s3], $0x80, v4, vm0, $0xb8;
	[tilespmem:$0x8080] =	vst v63  }
0x4e: {  	_ = 	snop  }
0x4f: {  	[tilespmem:s19], [sflag:$0x1] =	stream.indirect_vreg.gather [hbm4b:s1+s3], $0x80, v3, vm0, $0xb8;
	[tilespmem:$0x8080] =	vst v63  }
0x50: {  	v3 =	vld [tilespmem:$0x60];
	_ =	sdelay $0x4  }
0x51: {  	v62 =	vshll.u32 v3, $0x1  }
0x52: {  	v3 =	vand.u32 $0x7, v3;
	v4 =	vand.u32 $0xFFFFFFF0, v62  }
0x53: {  	v3 =	vor.u32 v3, v4  }
0x54: {  	v4 =	vperm.xlane v3, v0;
	_ =	sdelay $0x1  }
0x55: {  	v3 =	vperm.xlane v3, v2;
	v4 =	vadd.s32 v1, v4;
	_ =	sdelay $0x1  }
0x56: {  	v3 =	vadd.s32 v1, v3;
	_ =	sdelay $0x2  }
0x57: {  	[tilespmem:s20], [sflag:$0x1] =	stream.indirect_vreg.gather [hbm4b:s1+s3], $0x80, v4, vm0, $0xb8;
	[tilespmem:$0x8080] =	vst v63  }
0x58: {  	_ = 	snop  }
0x59: {  	[tilespmem:s21], [sflag:$0x1] =	stream.indirect_vreg.gather [hbm4b:s1+s3], $0x80, v3, vm0, $0xb8;
	[tilespmem:$0x8080] =	vst v63  }
0x5a: {  	v3 =	vld [tilespmem:$0x70];
	_ =	sdelay $0x4  }
0x5b: {  	v63 =	vshll.u32 v3, $0x1  }
0x5c: {  	v3 =	vand.u32 $0x7, v3;
	v4 =	vand.u32 $0xFFFFFFF0, v63  }
0x5d: {  	v3 =	vor.u32 v3, v4  }
0x5e: {  	v4 =	vperm.xlane v3, v0;
	_ =	sdelay $0x1  }
0x5f: {  	v3 =	vperm.xlane v3, v2;
	v4 =	vadd.s32 v1, v4;
	_ =	sdelay $0x1  }
0x60: {  	v3 =	vadd.s32 v1, v3;
	_ =	sdelay $0x2  }
0x61: {  	[tilespmem:s22], [sflag:$0x1] =	stream.indirect_vreg.gather [hbm4b:s1+s3], $0x80, v4, vm0, $0xb8;
	[tilespmem:$0x8080] =	vst v63  }
0x62: {  	_ = 	snop  }
0x63: {  	[tilespmem:s23], [sflag:$0x1] =	stream.indirect_vreg.gather [hbm4b:s1+s3], $0x80, v3, vm0, $0xb8;
	[tilespmem:$0x8080] =	vst v63  }
0x64: {  	_ =	swait.ge [sflag:s24], $0x8000  }
0x65: {  	p0 =	sne.s32 s6, $0x1;
	[sflag:s24] =	ssyncset.done $0x0  }
.Ltmp0:
0x66: {  	[sflag:s24] =	ssyncadd.s32 $0xFFFF8000;
	(pc) =	sbr.rel @p0 .LBB2_1-.Ltmp0, $4  }
0x67: {  	[hbm4b:s5+s3] =	stream.linear.scatter [tilespmem:s8], [sflag:$0x2], $0x8000, $0x38;
	[tilespmem:$0x8080] =	vst v63  }
0x68: {  	_ =	swait.ge [sflag:s7], $0x8000  }
0x69: {  	[sflag:s7] =	ssyncset.done $0x0  }
0x6a: {  	s6 =	sadd.s32 $0xFFFFFFFF, s6;
	[sflag:s7] =	ssyncadd.s32 $0xFFFF8000  }
0x6b: {  	_ =	sfence.sel $0x180000  }
0x6c: {  	[bflag:$0x0] =	sbarrier.arrive $0xFFFF  }
0x6d: {  	p0 =	sne.s32 s2, $0x0;
	_ =	strace $0x90000047  }
0x6e: {  	s0 =	sadd.s32 @!p0 $0x100000, s0;
	[bflag:$0x2] =	sbarrier.arrive $0xFFFF  }
0x6f: {  	[sflag:s0] =	ssyncadd.tile.s32 @!p0 $0x1;
	_ =	shalt  }
.Lfunc_end2:
_tile_overlayer_lowered:
.L_overlay_start_2:
0x70: {  	(tag) =	ssettag $0x2  }
0x71: {  	s0 =	rddreg [dreg:$0x0];
	s2 =	stileid.u32  }
0x72: {  	s1 =	rddreg [dreg:$0x1];
	p0 =	sne.s32 s2, $0x0  }
0x73: {  	s3 =	rddreg [dreg:$0x2];
	[bflag:$0x3] =	sbarrier.arrive $0xFFFF;
	s2 =	simm.s32 @!p0 $0x1C02  }
0x74: {  	[timem:s3], [sflag:s2] =	dma.local @!p0 [hbm:s0], s1  }
0x75: {  	s0 =	simm.s32 @!p0 $0x2  }
0x76: {  	_ =	swait.ge @!p0 [sflag:s0], s1  }
0x77: {  	s1 =	ssub.s32 @!p0 $0x0, s1;
	[sflag:s0] =	ssyncset.done @!p0 $0x0  }
0x78: {  	[sflag:s0] =	ssyncadd.s32 @!p0 s1  }
0x79: {  	[bflag:$0x3] =	sbarrier.arrive $0xFFFF  }
0x7a: {  	_ =	shalt  }

</sc_bundles>
